<compile_context>
chip_gen: v7x
topology: tpu7x:2x2x1
jax: 0.10.2.dev20260603
libtpu: 0.0.44.dev20260713+nightly
codegen_flags: <defaults>
</compile_context>

<pallas_src>
import jax
import jax.numpy as jnp
from jax import lax
from jax.experimental import pallas as pl
from jax.experimental.pallas import tpu as pltpu, tpu_sc as plsc

B, L, D = 4096, 201, 128
PL = 208
NC, NS, LANES = 2, 16, 16
NW = NC * NS
BPW = B // NW
RPW = BPW * PL
CHUNK = 128
NCHUNK = RPW // CHUNK
NBUF = 4
OUTER = NCHUNK // NBUF
LOOKAHEAD = 2
REP = 2048
GPC = CHUNK // LANES


def _sc_body(ids_hbm, len_hbm, table_hbm, out_hbm, clen_hbm,
             ids_v, rows_v, len_v, eof_idx_v, eof_fill_v, eof_rows_v,
             clen_v, semg, sems):
    wid = lax.axis_index("s") * NC + lax.axis_index("c")
    row0 = wid * RPW

    pltpu.sync_copy(ids_hbm.at[pl.ds(wid * NCHUNK, NCHUNK)], ids_v)

    iota = lax.iota(jnp.int32, LANES)

    def remap_chunk(c, carry):
        for g in range(GPC):
            sl = pl.ds(g * LANES, LANES)
            phase = jnp.bitwise_and(iota + (c * CHUNK + g * LANES), REP - 1)
            ids_v[c, sl] = ids_v[c, sl] + phase * 4
        return carry

    lax.fori_loop(0, NCHUNK, remap_chunk, 0)

    def g_start(c, b):
        pltpu.async_copy(table_hbm.at[ids_v.at[c]], rows_v.at[b], semg.at[b])

    def g_wait(b):
        pltpu.make_async_copy(table_hbm.at[ids_v.at[0]], rows_v.at[b],
                              semg.at[b]).wait()

    def s_start(c, b):
        pltpu.async_copy(rows_v.at[b],
                         out_hbm.at[pl.ds(row0 + c * CHUNK, CHUNK)],
                         sems.at[b])

    def s_wait(b):
        pltpu.make_async_copy(rows_v.at[b], out_hbm.at[pl.ds(0, CHUNK)],
                              sems.at[b]).wait()

    for b in range(LOOKAHEAD):
        g_start(b, b)

    def outer(o, carry):
        for b in range(NBUF):
            c = o * NBUF + b
            g_wait(b)
            s_start(c, b)
            nxt = c + LOOKAHEAD
            bn = (b + LOOKAHEAD) % NBUF

            @pl.when(jnp.logical_and(c >= LOOKAHEAD, nxt < NCHUNK))
            def _():
                s_wait(bn)

            @pl.when(nxt < NCHUNK)
            def _():
                g_start(nxt, bn)
        return carry

    lax.fori_loop(0, OUTER, outer, 0)
    for b in range(NBUF):
        s_wait(b)

    b0 = wid * BPW
    pltpu.sync_copy(len_hbm.at[pl.ds(b0, BPW)], len_v)
    for j in range(BPW // LANES):
        sl = pl.ds(j * LANES, LANES)
        ln = len_v[sl]
        bi = iota + (b0 + j * LANES)
        eof_idx_v[sl] = bi * PL + ln
        clen_v[sl] = ln + 1
        phase = jnp.bitwise_and(iota + j * LANES, REP - 1)
        eof_fill_v[sl] = phase * 4 + 3
    pltpu.sync_copy(clen_v, clen_hbm.at[pl.ds(b0, BPW)])
    pltpu.async_copy(table_hbm.at[eof_fill_v], eof_rows_v, semg.at[0]).wait()
    pltpu.async_copy(eof_rows_v, out_hbm.at[eof_idx_v], semg.at[0]).wait()


def kernel(word_ids, lengths, table, eof_embedding):
    table4 = jnp.concatenate([table, eof_embedding], axis=0)
    table_rep = jnp.tile(table4, (REP, 1))
    ids_pad = jnp.pad(word_ids, ((0, 0), (0, PL - L)))
    ids2d = ids_pad.reshape(B * PL // CHUNK, CHUNK)

    mesh = plsc.VectorSubcoreMesh(core_axis_name="c", subcore_axis_name="s")
    out2d, char_len = pl.kernel(
        _sc_body,
        out_type=(
            jax.ShapeDtypeStruct((B * PL, D), jnp.float32),
            jax.ShapeDtypeStruct((B,), jnp.int32),
        ),
        mesh=mesh,
        scratch_types=[
            pltpu.VMEM((NCHUNK, CHUNK), jnp.int32),
            pltpu.VMEM((NBUF, CHUNK, D), jnp.float32),
            pltpu.VMEM((BPW,), jnp.int32),
            pltpu.VMEM((BPW,), jnp.int32),
            pltpu.VMEM((BPW,), jnp.int32),
            pltpu.VMEM((BPW, D), jnp.float32),
            pltpu.VMEM((BPW,), jnp.int32),
            pltpu.SemaphoreType.DMA((NBUF,)),
            pltpu.SemaphoreType.DMA((NBUF,)),
        ],
    )(ids2d, lengths, table_rep)

    rep = out2d.reshape(B, PL, D)[:, :L, :]
    return rep, char_len

# --- scband reference (transcript-rebuilt; emitter-appended) ---
"""Pipeline reference for scband-sp-wspipeline-24833500905524 (READ-ONLY COPY).

The authoritative reference and input builder live on the scoring server;
editing this copy changes nothing except your own understanding.
"""

import jax, jax.numpy as jnp
import numpy as np

B, L, D = 4096, 201, 128
V = 3  # len(ws_vocab)


def setup_inputs(seed: int = 0) -> dict:
    key = jax.random.key(seed)
    k1, k2, k3, k4 = jax.random.split(key, 4)
    word_ids = jax.random.randint(k1, (B, L), 0, V, dtype=jnp.int32)
    lengths = jax.random.randint(k2, (B,), 0, L - 1, dtype=jnp.int32)
    table = jax.random.normal(k3, (V, D), dtype=jnp.float32)
    bias = float(np.sqrt(3.0 / D))
    eof_embedding = jax.random.uniform(k4, (1, D), dtype=jnp.float32, minval=-bias, maxval=bias)
    return {"word_ids": word_ids, "lengths": lengths, "table": table, "eof_embedding": eof_embedding}


def reference(word_ids, lengths, table, eof_embedding):
    # Faithful translation of spWSPipeline.forward (eval mode: WordDropout = identity).
    # word_ids: padded token ids [B, L]; lengths: per-instance 'len' values.
    B_, L_ = word_ids.shape
    # nn.Embedding lookup -> gather
    word_embed = jnp.take(table, word_ids, axis=0)  # [B, L, D]
    flat = word_embed.reshape(B_ * L_, -1)
    # eof_ind[i] = shift_i + len_i  (shift_i = i * max_length)
    eof_ind = jnp.arange(B_, dtype=jnp.int32) * L_ + lengths
    # scatter-overwrite the EOF embedding row at each eof position
    flat = flat.at[eof_ind].set(eof_embedding[0])
    rep = flat.reshape(B_, L_, -1)
    char_len = lengths + 1
    return (rep, char_len)

if __name__ == "__main__":
    import jax
    _d = setup_inputs()
    print(jax.jit(kernel)(*tuple(_d.values())))

</pallas_src>

<mosaic_0001>
#map = affine_map<(d0, d1) -> (0, 0)>
#map1 = affine_map<(d0, d1) -> (0)>
module attributes {stable_mosaic.version = 14 : i64} {
  func.func @_sc_body(%arg0: i32, %arg1: i32, %arg2: memref<6656x128xi32, #tpu.memory_space<hbm>>, %arg3: memref<4096xi32, #tpu.memory_space<hbm>>, %arg4: memref<8192x128xf32, #tpu.memory_space<hbm>>, %arg5: memref<851968x128xf32, #tpu.memory_space<hbm>>, %arg6: memref<4096xi32, #tpu.memory_space<hbm>>, %arg7: memref<208x128xi32, #tpu.memory_space<vmem>>, %arg8: memref<4x128x128xf32, #tpu.memory_space<vmem>>, %arg9: memref<128xi32, #tpu.memory_space<vmem>>, %arg10: memref<128xi32, #tpu.memory_space<vmem>>, %arg11: memref<128xi32, #tpu.memory_space<vmem>>, %arg12: memref<128x128xf32, #tpu.memory_space<vmem>>, %arg13: memref<128xi32, #tpu.memory_space<vmem>>, %arg14: memref<4x!tpu.dma_semaphore, #tpu.memory_space<semaphore_mem>>, %arg15: memref<4x!tpu.dma_semaphore, #tpu.memory_space<semaphore_mem>>) attributes {dimension_semantics = [#tpu.dimension_semantics<core_parallel>, #tpu.dimension_semantics<subcore_parallel>], iteration_bounds = array<i64: 2, 16>, scalar_prefetch = 0 : i64, scratch_operands = 9 : i64, tpu.core_type = #tpu.core_type<sc_vector_subcore>, window_params = [{transform_indices = #map}, {transform_indices = #map1}, {transform_indices = #map}, {transform_indices = #map}, {transform_indices = #map1}]} {
    %mul3A = arith.constant 2 : i32
    %mul3A_0 = arith.muli %arg1, %mul3A : i32
    %add3A = arith.addi %mul3A_0, %arg0 : i32
    %mul3A_1 = arith.constant 26624 : i32
    %mul3A_2 = arith.muli %add3A, %mul3A_1 : i32
    %mul3A_3 = arith.constant 208 : i32
    %mul3A_4 = arith.muli %add3A, %mul3A_3 : i32
    "tpu.region"() ({
      %run_scoped3A = tpu.sem_alloc : memref<!tpu.dma_semaphore, #tpu.memory_space<semaphore_mem>>
      %dma_start3A_443 = arith.constant 0 : i32
      %dma_start3A_444 = tpu.memref_slice %arg2[%mul3A_4, %dma_start3A_443] : memref<6656x128xi32, #tpu.memory_space<hbm>> -> memref<208x128xi32, #tpu.memory_space<hbm>>
      %dma_start3A_445 = arith.constant 0 : i32
      %dma_start3A_446 = tpu.memref_slice %arg2[%mul3A_4, %dma_start3A_445] : memref<6656x128xi32, #tpu.memory_space<hbm>> -> memref<208x128xi32, #tpu.memory_space<hbm>>
      tpu.enqueue_dma source(%dma_start3A_446 : memref<208x128xi32, #tpu.memory_space<hbm>>) target(%arg7 : memref<208x128xi32, #tpu.memory_space<vmem>>) target_semaphore(%run_scoped3A : memref<!tpu.dma_semaphore, #tpu.memory_space<semaphore_mem>>)
      %dma_wait3A_447 = arith.constant 0 : i32
      %dma_wait3A_448 = tpu.memref_slice %arg2[%mul3A_4, %dma_wait3A_447] : memref<6656x128xi32, #tpu.memory_space<hbm>> -> memref<208x128xi32, #tpu.memory_space<hbm>>
      %dma_wait3A_449 = arith.constant 0 : i32
      %dma_wait3A_450 = tpu.memref_slice %arg2[%mul3A_4, %dma_wait3A_449] : memref<6656x128xi32, #tpu.memory_space<hbm>> -> memref<208x128xi32, #tpu.memory_space<hbm>>
      tpu.wait_dma2 semaphore(%run_scoped3A : memref<!tpu.dma_semaphore, #tpu.memory_space<semaphore_mem>>) src(%dma_wait3A_450 : memref<208x128xi32, #tpu.memory_space<hbm>>) dst(%arg7 : memref<208x128xi32, #tpu.memory_space<vmem>>)
      tpu.yield
    }) : () -> ()
    %iota3A = tpu.iota {dimensions = array<i32: 0>} : vector<16xi32>
    %scan3A = arith.constant 0 : i32
    %scan3A_5 = arith.constant 0 : i32
    %scan3A_6 = arith.constant 208 : i32
    %scan3A_7 = arith.addi %scan3A_5, %scan3A_6 : i32
    %scan3A_8 = arith.constant 1 : i32
    scf.for %scan3A_443 = %scan3A_5 to %scan3A_7 step %scan3A_8  : i32 {
      %mul3A_444 = arith.constant 128 : i32
      %mul3A_445 = arith.muli %scan3A_443, %mul3A_444 : i32
      %add3A_446 = arith.constant 0 : i32
      %add3A_447 = arith.addi %mul3A_445, %add3A_446 : i32
      %add3A_448 = vector.broadcast %add3A_447 : i32 to vector<16xi32>
      %add3A_449 = arith.addi %iota3A, %add3A_448 : vector<16xi32>
      %and3A_450 = arith.constant 2047 : i32
      %and3A_451 = vector.broadcast %and3A_450 : i32 to vector<16xi32>
      %and3A_452 = arith.andi %add3A_449, %and3A_451 : vector<16xi32>
      %get3A_453 = arith.index_cast %scan3A_443 : i32 to index
      %get3A_454 = arith.constant 0 : index
      %get3A_455 = tpu.vector_load %arg7[%get3A_453, %get3A_454] {strides = array<i32>} : memref<208x128xi32, #tpu.memory_space<vmem>>, vector<1x16xi32>,
      %get3A_456 = vector.shape_cast %get3A_455 : vector<1x16xi32> to vector<16xi32>
      %mul3A_457 = arith.constant 4 : i32
      %mul3A_458 = vector.broadcast %mul3A_457 : i32 to vector<16xi32>
      %mul3A_459 = arith.muli %and3A_452, %mul3A_458 : vector<16xi32>
      %add3A_460 = arith.addi %get3A_456, %mul3A_459 : vector<16xi32>
      %swap3A_461 = arith.index_cast %scan3A_443 : i32 to index
      %swap3A_462 = arith.constant 0 : index
      %swap3A_463 = tpu.vector_load %arg7[%swap3A_461, %swap3A_462] {strides = array<i32>} : memref<208x128xi32, #tpu.memory_space<vmem>>, vector<1x16xi32>,
      %swap3A_464 = vector.shape_cast %swap3A_463 : vector<1x16xi32> to vector<16xi32>
      %swap3A_465 = vector.shape_cast %add3A_460 : vector<16xi32> to vector<1x16xi32>
      tpu.vector_store %arg7[%swap3A_461, %swap3A_462], %swap3A_465 {strides = array<i32>} : memref<208x128xi32, #tpu.memory_space<vmem>>, vector<1x16xi32>,
      %mul3A_466 = arith.constant 128 : i32
      %mul3A_467 = arith.muli %scan3A_443, %mul3A_466 : i32
      %add3A_468 = arith.constant 16 : i32
      %add3A_469 = arith.addi %mul3A_467, %add3A_468 : i32
      %add3A_470 = vector.broadcast %add3A_469 : i32 to vector<16xi32>
      %add3A_471 = arith.addi %iota3A, %add3A_470 : vector<16xi32>
      %and3A_472 = arith.constant 2047 : i32
      %and3A_473 = vector.broadcast %and3A_472 : i32 to vector<16xi32>
      %and3A_474 = arith.andi %add3A_471, %and3A_473 : vector<16xi32>
      %get3A_475 = arith.index_cast %scan3A_443 : i32 to index
      %get3A_476 = arith.constant 16 : index
      %get3A_477 = tpu.vector_load %arg7[%get3A_475, %get3A_476] {strides = array<i32>} : memref<208x128xi32, #tpu.memory_space<vmem>>, vector<1x16xi32>,
      %get3A_478 = vector.shape_cast %get3A_477 : vector<1x16xi32> to vector<16xi32>
      %mul3A_479 = arith.constant 4 : i32
      %mul3A_480 = vector.broadcast %mul3A_479 : i32 to vector<16xi32>
      %mul3A_481 = arith.muli %and3A_474, %mul3A_480 : vector<16xi32>
      %add3A_482 = arith.addi %get3A_478, %mul3A_481 : vector<16xi32>
      %swap3A_483 = arith.index_cast %scan3A_443 : i32 to index
      %swap3A_484 = arith.constant 16 : index
      %swap3A_485 = tpu.vector_load %arg7[%swap3A_483, %swap3A_484] {strides = array<i32>} : memref<208x128xi32, #tpu.memory_space<vmem>>, vector<1x16xi32>,
      %swap3A_486 = vector.shape_cast %swap3A_485 : vector<1x16xi32> to vector<16xi32>
      %swap3A_487 = vector.shape_cast %add3A_482 : vector<16xi32> to vector<1x16xi32>
      tpu.vector_store %arg7[%swap3A_483, %swap3A_484], %swap3A_487 {strides = array<i32>} : memref<208x128xi32, #tpu.memory_space<vmem>>, vector<1x16xi32>,
      %mul3A_488 = arith.constant 128 : i32
      %mul3A_489 = arith.muli %scan3A_443, %mul3A_488 : i32
      %add3A_490 = arith.constant 32 : i32
      %add3A_491 = arith.addi %mul3A_489, %add3A_490 : i32
      %add3A_492 = vector.broadcast %add3A_491 : i32 to vector<16xi32>
      %add3A_493 = arith.addi %iota3A, %add3A_492 : vector<16xi32>
      %and3A_494 = arith.constant 2047 : i32
      %and3A_495 = vector.broadcast %and3A_494 : i32 to vector<16xi32>
      %and3A_496 = arith.andi %add3A_493, %and3A_495 : vector<16xi32>
      %get3A_497 = arith.index_cast %scan3A_443 : i32 to index
      %get3A_498 = arith.constant 32 : index
      %get3A_499 = tpu.vector_load %arg7[%get3A_497, %get3A_498] {strides = array<i32>} : memref<208x128xi32, #tpu.memory_space<vmem>>, vector<1x16xi32>,
      %get3A_500 = vector.shape_cast %get3A_499 : vector<1x16xi32> to vector<16xi32>
      %mul3A_501 = arith.constant 4 : i32
      %mul3A_502 = vector.broadcast %mul3A_501 : i32 to vector<16xi32>
      %mul3A_503 = arith.muli %and3A_496, %mul3A_502 : vector<16xi32>
      %add3A_504 = arith.addi %get3A_500, %mul3A_503 : vector<16xi32>
      %swap3A_505 = arith.index_cast %scan3A_443 : i32 to index
      %swap3A_506 = arith.constant 32 : index
      %swap3A_507 = tpu.vector_load %arg7[%swap3A_505, %swap3A_506] {strides = array<i32>} : memref<208x128xi32, #tpu.memory_space<vmem>>, vector<1x16xi32>,
      %swap3A_508 = vector.shape_cast %swap3A_507 : vector<1x16xi32> to vector<16xi32>
      %swap3A_509 = vector.shape_cast %add3A_504 : vector<16xi32> to vector<1x16xi32>
      tpu.vector_store %arg7[%swap3A_505, %swap3A_506], %swap3A_509 {strides = array<i32>} : memref<208x128xi32, #tpu.memory_space<vmem>>, vector<1x16xi32>,
      %mul3A_510 = arith.constant 128 : i32
      %mul3A_511 = arith.muli %scan3A_443, %mul3A_510 : i32
      %add3A_512 = arith.constant 48 : i32
      %add3A_513 = arith.addi %mul3A_511, %add3A_512 : i32
      %add3A_514 = vector.broadcast %add3A_513 : i32 to vector<16xi32>
      %add3A_515 = arith.addi %iota3A, %add3A_514 : vector<16xi32>
      %and3A_516 = arith.constant 2047 : i32
      %and3A_517 = vector.broadcast %and3A_516 : i32 to vector<16xi32>
      %and3A_518 = arith.andi %add3A_515, %and3A_517 : vector<16xi32>
      %get3A_519 = arith.index_cast %scan3A_443 : i32 to index
      %get3A_520 = arith.constant 48 : index
      %get3A_521 = tpu.vector_load %arg7[%get3A_519, %get3A_520] {strides = array<i32>} : memref<208x128xi32, #tpu.memory_space<vmem>>, vector<1x16xi32>,
      %get3A_522 = vector.shape_cast %get3A_521 : vector<1x16xi32> to vector<16xi32>
      %mul3A_523 = arith.constant 4 : i32
      %mul3A_524 = vector.broadcast %mul3A_523 : i32 to vector<16xi32>
      %mul3A_525 = arith.muli %and3A_518, %mul3A_524 : vector<16xi32>
      %add3A_526 = arith.addi %get3A_522, %mul3A_525 : vector<16xi32>
      %swap3A_527 = arith.index_cast %scan3A_443 : i32 to index
      %swap3A_528 = arith.constant 48 : index
      %swap3A_529 = tpu.vector_load %arg7[%swap3A_527, %swap3A_528] {strides = array<i32>} : memref<208x128xi32, #tpu.memory_space<vmem>>, vector<1x16xi32>,
      %swap3A_530 = vector.shape_cast %swap3A_529 : vector<1x16xi32> to vector<16xi32>
      %swap3A_531 = vector.shape_cast %add3A_526 : vector<16xi32> to vector<1x16xi32>
      tpu.vector_store %arg7[%swap3A_527, %swap3A_528], %swap3A_531 {strides = array<i32>} : memref<208x128xi32, #tpu.memory_space<vmem>>, vector<1x16xi32>,
      %mul3A_532 = arith.constant 128 : i32
      %mul3A_533 = arith.muli %scan3A_443, %mul3A_532 : i32
      %add3A_534 = arith.constant 64 : i32
      %add3A_535 = arith.addi %mul3A_533, %add3A_534 : i32
      %add3A_536 = vector.broadcast %add3A_535 : i32 to vector<16xi32>
      %add3A_537 = arith.addi %iota3A, %add3A_536 : vector<16xi32>
      %and3A_538 = arith.constant 2047 : i32
      %and3A_539 = vector.broadcast %and3A_538 : i32 to vector<16xi32>
      %and3A_540 = arith.andi %add3A_537, %and3A_539 : vector<16xi32>
      %get3A_541 = arith.index_cast %scan3A_443 : i32 to index
      %get3A_542 = arith.constant 64 : index
      %get3A_543 = tpu.vector_load %arg7[%get3A_541, %get3A_542] {strides = array<i32>} : memref<208x128xi32, #tpu.memory_space<vmem>>, vector<1x16xi32>,
      %get3A_544 = vector.shape_cast %get3A_543 : vector<1x16xi32> to vector<16xi32>
      %mul3A_545 = arith.constant 4 : i32
      %mul3A_546 = vector.broadcast %mul3A_545 : i32 to vector<16xi32>
      %mul3A_547 = arith.muli %and3A_540, %mul3A_546 : vector<16xi32>
      %add3A_548 = arith.addi %get3A_544, %mul3A_547 : vector<16xi32>
      %swap3A_549 = arith.index_cast %scan3A_443 : i32 to index
      %swap3A_550 = arith.constant 64 : index
      %swap3A_551 = tpu.vector_load %arg7[%swap3A_549, %swap3A_550] {strides = array<i32>} : memref<208x128xi32, #tpu.memory_space<vmem>>, vector<1x16xi32>,
      %swap3A_552 = vector.shape_cast %swap3A_551 : vector<1x16xi32> to vector<16xi32>
      %swap3A_553 = vector.shape_cast %add3A_548 : vector<16xi32> to vector<1x16xi32>
      tpu.vector_store %arg7[%swap3A_549, %swap3A_550], %swap3A_553 {strides = array<i32>} : memref<208x128xi32, #tpu.memory_space<vmem>>, vector<1x16xi32>,
      %mul3A_554 = arith.constant 128 : i32
      %mul3A_555 = arith.muli %scan3A_443, %mul3A_554 : i32
      %add3A_556 = arith.constant 80 : i32
      %add3A_557 = arith.addi %mul3A_555, %add3A_556 : i32
      %add3A_558 = vector.broadcast %add3A_557 : i32 to vector<16xi32>
      %add3A_559 = arith.addi %iota3A, %add3A_558 : vector<16xi32>
      %and3A_560 = arith.constant 2047 : i32
      %and3A_561 = vector.broadcast %and3A_560 : i32 to vector<16xi32>
      %and3A_562 = arith.andi %add3A_559, %and3A_561 : vector<16xi32>
      %get3A_563 = arith.index_cast %scan3A_443 : i32 to index
      %get3A_564 = arith.constant 80 : index
      %get3A_565 = tpu.vector_load %arg7[%get3A_563, %get3A_564] {strides = array<i32>} : memref<208x128xi32, #tpu.memory_space<vmem>>, vector<1x16xi32>,
      %get3A_566 = vector.shape_cast %get3A_565 : vector<1x16xi32> to vector<16xi32>
      %mul3A_567 = arith.constant 4 : i32
      %mul3A_568 = vector.broadcast %mul3A_567 : i32 to vector<16xi32>
      %mul3A_569 = arith.muli %and3A_562, %mul3A_568 : vector<16xi32>
      %add3A_570 = arith.addi %get3A_566, %mul3A_569 : vector<16xi32>
      %swap3A_571 = arith.index_cast %scan3A_443 : i32 to index
      %swap3A_572 = arith.constant 80 : index
      %swap3A_573 = tpu.vector_load %arg7[%swap3A_571, %swap3A_572] {strides = array<i32>} : memref<208x128xi32, #tpu.memory_space<vmem>>, vector<1x16xi32>,
      %swap3A_574 = vector.shape_cast %swap3A_573 : vector<1x16xi32> to vector<16xi32>
      %swap3A_575 = vector.shape_cast %add3A_570 : vector<16xi32> to vector<1x16xi32>
      tpu.vector_store %arg7[%swap3A_571, %swap3A_572], %swap3A_575 {strides = array<i32>} : memref<208x128xi32, #tpu.memory_space<vmem>>, vector<1x16xi32>,
      %mul3A_576 = arith.constant 128 : i32
      %mul3A_577 = arith.muli %scan3A_443, %mul3A_576 : i32
      %add3A_578 = arith.constant 96 : i32
      %add3A_579 = arith.addi %mul3A_577, %add3A_578 : i32
      %add3A_580 = vector.broadcast %add3A_579 : i32 to vector<16xi32>
      %add3A_581 = arith.addi %iota3A, %add3A_580 : vector<16xi32>
      %and3A_582 = arith.constant 2047 : i32
      %and3A_583 = vector.broadcast %and3A_582 : i32 to vector<16xi32>
      %and3A_584 = arith.andi %add3A_581, %and3A_583 : vector<16xi32>
      %get3A_585 = arith.index_cast %scan3A_443 : i32 to index
      %get3A_586 = arith.constant 96 : index
      %get3A_587 = tpu.vector_load %arg7[%get3A_585, %get3A_586] {strides = array<i32>} : memref<208x128xi32, #tpu.memory_space<vmem>>, vector<1x16xi32>,
      %get3A_588 = vector.shape_cast %get3A_587 : vector<1x16xi32> to vector<16xi32>
      %mul3A_589 = arith.constant 4 : i32
      %mul3A_590 = vector.broadcast %mul3A_589 : i32 to vector<16xi32>
      %mul3A_591 = arith.muli %and3A_584, %mul3A_590 : vector<16xi32>
      %add3A_592 = arith.addi %get3A_588, %mul3A_591 : vector<16xi32>
      %swap3A_593 = arith.index_cast %scan3A_443 : i32 to index
      %swap3A_594 = arith.constant 96 : index
      %swap3A_595 = tpu.vector_load %arg7[%swap3A_593, %swap3A_594] {strides = array<i32>} : memref<208x128xi32, #tpu.memory_space<vmem>>, vector<1x16xi32>,
      %swap3A_596 = vector.shape_cast %swap3A_595 : vector<1x16xi32> to vector<16xi32>
      %swap3A_597 = vector.shape_cast %add3A_592 : vector<16xi32> to vector<1x16xi32>
      tpu.vector_store %arg7[%swap3A_593, %swap3A_594], %swap3A_597 {strides = array<i32>} : memref<208x128xi32, #tpu.memory_space<vmem>>, vector<1x16xi32>,
      %mul3A_598 = arith.constant 128 : i32
      %mul3A_599 = arith.muli %scan3A_443, %mul3A_598 : i32
      %add3A_600 = arith.constant 112 : i32
      %add3A_601 = arith.addi %mul3A_599, %add3A_600 : i32
      %add3A_602 = vector.broadcast %add3A_601 : i32 to vector<16xi32>
      %add3A_603 = arith.addi %iota3A, %add3A_602 : vector<16xi32>
      %and3A_604 = arith.constant 2047 : i32
      %and3A_605 = vector.broadcast %and3A_604 : i32 to vector<16xi32>
      %and3A_606 = arith.andi %add3A_603, %and3A_605 : vector<16xi32>
      %get3A_607 = arith.index_cast %scan3A_443 : i32 to index
      %get3A_608 = arith.constant 112 : index
      %get3A_609 = tpu.vector_load %arg7[%get3A_607, %get3A_608] {strides = array<i32>} : memref<208x128xi32, #tpu.memory_space<vmem>>, vector<1x16xi32>,
      %get3A_610 = vector.shape_cast %get3A_609 : vector<1x16xi32> to vector<16xi32>
      %mul3A_611 = arith.constant 4 : i32
      %mul3A_612 = vector.broadcast %mul3A_611 : i32 to vector<16xi32>
      %mul3A_613 = arith.muli %and3A_606, %mul3A_612 : vector<16xi32>
      %add3A_614 = arith.addi %get3A_610, %mul3A_613 : vector<16xi32>
      %swap3A_615 = arith.index_cast %scan3A_443 : i32 to index
      %swap3A_616 = arith.constant 112 : index
      %swap3A_617 = tpu.vector_load %arg7[%swap3A_615, %swap3A_616] {strides = array<i32>} : memref<208x128xi32, #tpu.memory_space<vmem>>, vector<1x16xi32>,
      %swap3A_618 = vector.shape_cast %swap3A_617 : vector<1x16xi32> to vector<16xi32>
      %swap3A_619 = vector.shape_cast %add3A_614 : vector<16xi32> to vector<1x16xi32>
      tpu.vector_store %arg7[%swap3A_615, %swap3A_616], %swap3A_619 {strides = array<i32>} : memref<208x128xi32, #tpu.memory_space<vmem>>, vector<1x16xi32>,
    }
    %scan3A_9 = arith.constant 208 : i32
    %dma_start3A = arith.constant 0 : i32
    %dma_start3A_10 = arith.constant 0 : i32
    %dma_start3A_11 = arith.constant 0 : i32
    %dma_start3A_12 = arith.constant 0 : i32
    %dma_start3A_13 = arith.constant 0 : i32
    %dma_start3A_14 = tpu.memref_slice %arg8[%dma_start3A_10, %dma_start3A_12, %dma_start3A_13] : memref<4x128x128xf32, #tpu.memory_space<vmem>> -> memref<1x128x128xf32, #tpu.memory_space<vmem>>
    %dma_start3A_15 = tpu.memref_squeeze %dma_start3A_14 : memref<1x128x128xf32, #tpu.memory_space<vmem>> -> memref<128x128xf32, #tpu.memory_space<vmem>>
    %dma_start3A_16 = arith.constant 0 : i32
    %dma_start3A_17 = tpu.memref_slice %arg7[%dma_start3A, %dma_start3A_16] : memref<208x128xi32, #tpu.memory_space<vmem>> -> memref<1x128xi32, #tpu.memory_space<vmem>>
    %dma_start3A_18 = tpu.memref_squeeze %dma_start3A_17 : memref<1x128xi32, #tpu.memory_space<vmem>> -> memref<128xi32, #tpu.memory_space<vmem>>
    %dma_start3A_19 = arith.constant 0 : i32
    %dma_start3A_20 = arith.constant 0 : i32
    %dma_start3A_21 = tpu.memref_slice %arg4[%dma_start3A_19, %dma_start3A_20] : memref<8192x128xf32, #tpu.memory_space<hbm>> -> memref<8192x128xf32, #tpu.memory_space<hbm>>
    %dma_start3A_22 = tpu.memref_slice %arg14[%dma_start3A_11] : memref<4x!tpu.dma_semaphore, #tpu.memory_space<semaphore_mem>> -> memref<1x!tpu.dma_semaphore, #tpu.memory_space<semaphore_mem>>
    %dma_start3A_23 = tpu.memref_squeeze %dma_start3A_22 : memref<1x!tpu.dma_semaphore, #tpu.memory_space<semaphore_mem>> -> memref<!tpu.dma_semaphore, #tpu.memory_space<semaphore_mem>>
    tpu.enqueue_indirect_dma source(%dma_start3A_21 : memref<8192x128xf32, #tpu.memory_space<hbm>>) target(%dma_start3A_15 : memref<128x128xf32, #tpu.memory_space<vmem>>) offsets(%dma_start3A_18 : memref<128xi32, #tpu.memory_space<vmem>>) semaphore(%dma_start3A_23 : memref<!tpu.dma_semaphore, #tpu.memory_space<semaphore_mem>>)
    %dma_start3A_24 = arith.constant 1 : i32
    %dma_start3A_25 = arith.constant 1 : i32
    %dma_start3A_26 = arith.constant 1 : i32
    %dma_start3A_27 = arith.constant 0 : i32
    %dma_start3A_28 = arith.constant 0 : i32
    %dma_start3A_29 = tpu.memref_slice %arg8[%dma_start3A_25, %dma_start3A_27, %dma_start3A_28] : memref<4x128x128xf32, #tpu.memory_space<vmem>> -> memref<1x128x128xf32, #tpu.memory_space<vmem>>
    %dma_start3A_30 = tpu.memref_squeeze %dma_start3A_29 : memref<1x128x128xf32, #tpu.memory_space<vmem>> -> memref<128x128xf32, #tpu.memory_space<vmem>>
    %dma_start3A_31 = arith.constant 0 : i32
    %dma_start3A_32 = tpu.memref_slice %arg7[%dma_start3A_24, %dma_start3A_31] : memref<208x128xi32, #tpu.memory_space<vmem>> -> memref<1x128xi32, #tpu.memory_space<vmem>>
    %dma_start3A_33 = tpu.memref_squeeze %dma_start3A_32 : memref<1x128xi32, #tpu.memory_space<vmem>> -> memref<128xi32, #tpu.memory_space<vmem>>
    %dma_start3A_34 = arith.constant 0 : i32
    %dma_start3A_35 = arith.constant 0 : i32
    %dma_start3A_36 = tpu.memref_slice %arg4[%dma_start3A_34, %dma_start3A_35] : memref<8192x128xf32, #tpu.memory_space<hbm>> -> memref<8192x128xf32, #tpu.memory_space<hbm>>
    %dma_start3A_37 = tpu.memref_slice %arg14[%dma_start3A_26] : memref<4x!tpu.dma_semaphore, #tpu.memory_space<semaphore_mem>> -> memref<1x!tpu.dma_semaphore, #tpu.memory_space<semaphore_mem>>
    %dma_start3A_38 = tpu.memref_squeeze %dma_start3A_37 : memref<1x!tpu.dma_semaphore, #tpu.memory_space<semaphore_mem>> -> memref<!tpu.dma_semaphore, #tpu.memory_space<semaphore_mem>>
    tpu.enqueue_indirect_dma source(%dma_start3A_36 : memref<8192x128xf32, #tpu.memory_space<hbm>>) target(%dma_start3A_30 : memref<128x128xf32, #tpu.memory_space<vmem>>) offsets(%dma_start3A_33 : memref<128xi32, #tpu.memory_space<vmem>>) semaphore(%dma_start3A_38 : memref<!tpu.dma_semaphore, #tpu.memory_space<semaphore_mem>>)
    %scan3A_39 = arith.constant 0 : i32
    %scan3A_40 = arith.constant 0 : i32
    %scan3A_41 = arith.constant 52 : i32
    %scan3A_42 = arith.addi %scan3A_40, %scan3A_41 : i32
    %scan3A_43 = arith.constant 1 : i32
    scf.for %scan3A_443 = %scan3A_40 to %scan3A_42 step %scan3A_43  : i32 {
      %mul3A_444 = arith.constant 4 : i32
      %mul3A_445 = arith.muli %scan3A_443, %mul3A_444 : i32
      %add3A_446 = arith.constant 0 : i32
      %add3A_447 = arith.addi %mul3A_445, %add3A_446 : i32
      %dma_wait3A_448 = arith.constant 0 : i32
      %dma_wait3A_449 = arith.constant 0 : i32
      %dma_wait3A_450 = arith.constant 0 : i32
      %dma_wait3A_451 = arith.constant 0 : i32
      %dma_wait3A_452 = arith.constant 0 : i32
      %dma_wait3A_453 = tpu.memref_slice %arg8[%dma_wait3A_449, %dma_wait3A_451, %dma_wait3A_452] : memref<4x128x128xf32, #tpu.memory_space<vmem>> -> memref<1x128x128xf32, #tpu.memory_space<vmem>>
      %dma_wait3A_454 = tpu.memref_squeeze %dma_wait3A_453 : memref<1x128x128xf32, #tpu.memory_space<vmem>> -> memref<128x128xf32, #tpu.memory_space<vmem>>
      %dma_wait3A_455 = arith.constant 0 : i32
      %dma_wait3A_456 = tpu.memref_slice %arg7[%dma_wait3A_448, %dma_wait3A_455] : memref<208x128xi32, #tpu.memory_space<vmem>> -> memref<1x128xi32, #tpu.memory_space<vmem>>
      %dma_wait3A_457 = tpu.memref_squeeze %dma_wait3A_456 : memref<1x128xi32, #tpu.memory_space<vmem>> -> memref<128xi32, #tpu.memory_space<vmem>>
      %dma_wait3A_458 = arith.constant 0 : i32
      %dma_wait3A_459 = arith.constant 0 : i32
      %dma_wait3A_460 = tpu.memref_slice %arg4[%dma_wait3A_458, %dma_wait3A_459] : memref<8192x128xf32, #tpu.memory_space<hbm>> -> memref<8192x128xf32, #tpu.memory_space<hbm>>
      %dma_wait3A_461 = tpu.memref_slice %arg14[%dma_wait3A_450] : memref<4x!tpu.dma_semaphore, #tpu.memory_space<semaphore_mem>> -> memref<1x!tpu.dma_semaphore, #tpu.memory_space<semaphore_mem>>
      %dma_wait3A_462 = tpu.memref_squeeze %dma_wait3A_461 : memref<1x!tpu.dma_semaphore, #tpu.memory_space<semaphore_mem>> -> memref<!tpu.dma_semaphore, #tpu.memory_space<semaphore_mem>>
      tpu.wait_indirect_dma semaphore(%dma_wait3A_462 : memref<!tpu.dma_semaphore, #tpu.memory_space<semaphore_mem>>) src(%dma_wait3A_460 : memref<8192x128xf32, #tpu.memory_space<hbm>>) dst(%dma_wait3A_454 : memref<128x128xf32, #tpu.memory_space<vmem>>)
      %mul3A_463 = arith.constant 128 : i32
      %mul3A_464 = arith.muli %add3A_447, %mul3A_463 : i32
      %add3A_465 = arith.addi %mul3A_2, %mul3A_464 : i32
      %dma_start3A_466 = arith.constant 0 : i32
      %dma_start3A_467 = arith.constant 0 : i32
      %dma_start3A_468 = arith.constant 0 : i32
      %dma_start3A_469 = arith.constant 0 : i32
      %dma_start3A_470 = tpu.memref_slice %arg8[%dma_start3A_466, %dma_start3A_468, %dma_start3A_469] : memref<4x128x128xf32, #tpu.memory_space<vmem>> -> memref<1x128x128xf32, #tpu.memory_space<vmem>>
      %dma_start3A_471 = tpu.memref_squeeze %dma_start3A_470 : memref<1x128x128xf32, #tpu.memory_space<vmem>> -> memref<128x128xf32, #tpu.memory_space<vmem>>
      %dma_start3A_472 = arith.constant 0 : i32
      %dma_start3A_473 = tpu.memref_slice %arg5[%add3A_465, %dma_start3A_472] : memref<851968x128xf32, #tpu.memory_space<hbm>> -> memref<128x128xf32, #tpu.memory_space<hbm>>
      %dma_start3A_474 = tpu.memref_slice %arg15[%dma_start3A_467] : memref<4x!tpu.dma_semaphore, #tpu.memory_space<semaphore_mem>> -> memref<1x!tpu.dma_semaphore, #tpu.memory_space<semaphore_mem>>
      %dma_start3A_475 = tpu.memref_squeeze %dma_start3A_474 : memref<1x!tpu.dma_semaphore, #tpu.memory_space<semaphore_mem>> -> memref<!tpu.dma_semaphore, #tpu.memory_space<semaphore_mem>>
      %dma_start3A_476 = arith.constant 0 : i32
      %dma_start3A_477 = tpu.memref_slice %arg5[%add3A_465, %dma_start3A_476] : memref<851968x128xf32, #tpu.memory_space<hbm>> -> memref<128x128xf32, #tpu.memory_space<hbm>>
      %dma_start3A_478 = arith.constant 0 : i32
      %dma_start3A_479 = arith.constant 0 : i32
      %dma_start3A_480 = tpu.memref_slice %arg8[%dma_start3A_466, %dma_start3A_478, %dma_start3A_479] : memref<4x128x128xf32, #tpu.memory_space<vmem>> -> memref<1x128x128xf32, #tpu.memory_space<vmem>>
      %dma_start3A_481 = tpu.memref_squeeze %dma_start3A_480 : memref<1x128x128xf32, #tpu.memory_space<vmem>> -> memref<128x128xf32, #tpu.memory_space<vmem>>
      tpu.enqueue_dma source(%dma_start3A_481 : memref<128x128xf32, #tpu.memory_space<vmem>>) target(%dma_start3A_477 : memref<128x128xf32, #tpu.memory_space<hbm>>) target_semaphore(%dma_start3A_475 : memref<!tpu.dma_semaphore, #tpu.memory_space<semaphore_mem>>)
      %add3A_482 = arith.constant 2 : i32
      %add3A_483 = arith.addi %add3A_447, %add3A_482 : i32
      %ge3A = arith.constant 2 : i32
      %ge3A_484 = arith.cmpi sge, %add3A_447, %ge3A : i32
      %lt3A = arith.constant 208 : i32
      %lt3A_485 = arith.cmpi slt, %add3A_483, %lt3A : i32
      %and3A_486 = arith.andi %ge3A_484, %lt3A_485 : i1
      %convert_element_type3A = arith.extui %and3A_486 : i1 to i32
      %cond3A = arith.constant 0 : i32
      %cond3A_487 = arith.cmpi ne, %convert_element_type3A, %cond3A : i32
      scf.if %cond3A_487 {
        %dma_wait3A_652 = arith.constant 2 : i32
        %dma_wait3A_653 = arith.constant 2 : i32
        %dma_wait3A_654 = arith.constant 0 : i32
        %dma_wait3A_655 = arith.constant 0 : i32
        %dma_wait3A_656 = tpu.memref_slice %arg8[%dma_wait3A_652, %dma_wait3A_654, %dma_wait3A_655] : memref<4x128x128xf32, #tpu.memory_space<vmem>> -> memref<1x128x128xf32, #tpu.memory_space<vmem>>
        %dma_wait3A_657 = tpu.memref_squeeze %dma_wait3A_656 : memref<1x128x128xf32, #tpu.memory_space<vmem>> -> memref<128x128xf32, #tpu.memory_space<vmem>>
        %dma_wait3A_658 = arith.constant 0 : i32
        %dma_wait3A_659 = arith.constant 0 : i32
        %dma_wait3A_660 = tpu.memref_slice %arg5[%dma_wait3A_658, %dma_wait3A_659] : memref<851968x128xf32, #tpu.memory_space<hbm>> -> memref<128x128xf32, #tpu.memory_space<hbm>>
        %dma_wait3A_661 = tpu.memref_slice %arg15[%dma_wait3A_653] : memref<4x!tpu.dma_semaphore, #tpu.memory_space<semaphore_mem>> -> memref<1x!tpu.dma_semaphore, #tpu.memory_space<semaphore_mem>>
        %dma_wait3A_662 = tpu.memref_squeeze %dma_wait3A_661 : memref<1x!tpu.dma_semaphore, #tpu.memory_space<semaphore_mem>> -> memref<!tpu.dma_semaphore, #tpu.memory_space<semaphore_mem>>
        %dma_wait3A_663 = arith.constant 0 : i32
        %dma_wait3A_664 = arith.constant 0 : i32
        %dma_wait3A_665 = tpu.memref_slice %arg5[%dma_wait3A_663, %dma_wait3A_664] : memref<851968x128xf32, #tpu.memory_space<hbm>> -> memref<128x128xf32, #tpu.memory_space<hbm>>
        %dma_wait3A_666 = arith.constant 0 : i32
        %dma_wait3A_667 = arith.constant 0 : i32
        %dma_wait3A_668 = tpu.memref_slice %arg8[%dma_wait3A_652, %dma_wait3A_666, %dma_wait3A_667] : memref<4x128x128xf32, #tpu.memory_space<vmem>> -> memref<1x128x128xf32, #tpu.memory_space<vmem>>
        %dma_wait3A_669 = tpu.memref_squeeze %dma_wait3A_668 : memref<1x128x128xf32, #tpu.memory_space<vmem>> -> memref<128x128xf32, #tpu.memory_space<vmem>>
        tpu.wait_dma2 semaphore(%dma_wait3A_662 : memref<!tpu.dma_semaphore, #tpu.memory_space<semaphore_mem>>) src(%dma_wait3A_669 : memref<128x128xf32, #tpu.memory_space<vmem>>) dst(%dma_wait3A_665 : memref<128x128xf32, #tpu.memory_space<hbm>>)
      } else {
      }
      %lt3A_488 = arith.constant 208 : i32
      %lt3A_489 = arith.cmpi slt, %add3A_483, %lt3A_488 : i32
      %convert_element_type3A_490 = arith.extui %lt3A_489 : i1 to i32
      %cond3A_491 = arith.constant 0 : i32
      %cond3A_492 = arith.cmpi ne, %convert_element_type3A_490, %cond3A_491 : i32
      scf.if %cond3A_492 {
        %dma_start3A_652 = arith.constant 2 : i32
        %dma_start3A_653 = arith.constant 2 : i32
        %dma_start3A_654 = arith.constant 0 : i32
        %dma_start3A_655 = arith.constant 0 : i32
        %dma_start3A_656 = tpu.memref_slice %arg8[%dma_start3A_652, %dma_start3A_654, %dma_start3A_655] : memref<4x128x128xf32, #tpu.memory_space<vmem>> -> memref<1x128x128xf32, #tpu.memory_space<vmem>>
        %dma_start3A_657 = tpu.memref_squeeze %dma_start3A_656 : memref<1x128x128xf32, #tpu.memory_space<vmem>> -> memref<128x128xf32, #tpu.memory_space<vmem>>
        %dma_start3A_658 = arith.constant 0 : i32
        %dma_start3A_659 = tpu.memref_slice %arg7[%add3A_483, %dma_start3A_658] : memref<208x128xi32, #tpu.memory_space<vmem>> -> memref<1x128xi32, #tpu.memory_space<vmem>>
        %dma_start3A_660 = tpu.memref_squeeze %dma_start3A_659 : memref<1x128xi32, #tpu.memory_space<vmem>> -> memref<128xi32, #tpu.memory_space<vmem>>
        %dma_start3A_661 = arith.constant 0 : i32
        %dma_start3A_662 = arith.constant 0 : i32
        %dma_start3A_663 = tpu.memref_slice %arg4[%dma_start3A_661, %dma_start3A_662] : memref<8192x128xf32, #tpu.memory_space<hbm>> -> memref<8192x128xf32, #tpu.memory_space<hbm>>
        %dma_start3A_664 = tpu.memref_slice %arg14[%dma_start3A_653] : memref<4x!tpu.dma_semaphore, #tpu.memory_space<semaphore_mem>> -> memref<1x!tpu.dma_semaphore, #tpu.memory_space<semaphore_mem>>
        %dma_start3A_665 = tpu.memref_squeeze %dma_start3A_664 : memref<1x!tpu.dma_semaphore, #tpu.memory_space<semaphore_mem>> -> memref<!tpu.dma_semaphore, #tpu.memory_space<semaphore_mem>>
        tpu.enqueue_indirect_dma source(%dma_start3A_663 : memref<8192x128xf32, #tpu.memory_space<hbm>>) target(%dma_start3A_657 : memref<128x128xf32, #tpu.memory_space<vmem>>) offsets(%dma_start3A_660 : memref<128xi32, #tpu.memory_space<vmem>>) semaphore(%dma_start3A_665 : memref<!tpu.dma_semaphore, #tpu.memory_space<semaphore_mem>>)
      } else {
      }
      %mul3A_493 = arith.constant 4 : i32
      %mul3A_494 = arith.muli %scan3A_443, %mul3A_493 : i32
      %add3A_495 = arith.constant 1 : i32
      %add3A_496 = arith.addi %mul3A_494, %add3A_495 : i32
      %dma_wait3A_497 = arith.constant 0 : i32
      %dma_wait3A_498 = arith.constant 1 : i32
      %dma_wait3A_499 = arith.constant 1 : i32
      %dma_wait3A_500 = arith.constant 0 : i32
      %dma_wait3A_501 = arith.constant 0 : i32
      %dma_wait3A_502 = tpu.memref_slice %arg8[%dma_wait3A_498, %dma_wait3A_500, %dma_wait3A_501] : memref<4x128x128xf32, #tpu.memory_space<vmem>> -> memref<1x128x128xf32, #tpu.memory_space<vmem>>
      %dma_wait3A_503 = tpu.memref_squeeze %dma_wait3A_502 : memref<1x128x128xf32, #tpu.memory_space<vmem>> -> memref<128x128xf32, #tpu.memory_space<vmem>>
      %dma_wait3A_504 = arith.constant 0 : i32
      %dma_wait3A_505 = tpu.memref_slice %arg7[%dma_wait3A_497, %dma_wait3A_504] : memref<208x128xi32, #tpu.memory_space<vmem>> -> memref<1x128xi32, #tpu.memory_space<vmem>>
      %dma_wait3A_506 = tpu.memref_squeeze %dma_wait3A_505 : memref<1x128xi32, #tpu.memory_space<vmem>> -> memref<128xi32, #tpu.memory_space<vmem>>
      %dma_wait3A_507 = arith.constant 0 : i32
      %dma_wait3A_508 = arith.constant 0 : i32
      %dma_wait3A_509 = tpu.memref_slice %arg4[%dma_wait3A_507, %dma_wait3A_508] : memref<8192x128xf32, #tpu.memory_space<hbm>> -> memref<8192x128xf32, #tpu.memory_space<hbm>>
      %dma_wait3A_510 = tpu.memref_slice %arg14[%dma_wait3A_499] : memref<4x!tpu.dma_semaphore, #tpu.memory_space<semaphore_mem>> -> memref<1x!tpu.dma_semaphore, #tpu.memory_space<semaphore_mem>>
      %dma_wait3A_511 = tpu.memref_squeeze %dma_wait3A_510 : memref<1x!tpu.dma_semaphore, #tpu.memory_space<semaphore_mem>> -> memref<!tpu.dma_semaphore, #tpu.memory_space<semaphore_mem>>
      tpu.wait_indirect_dma semaphore(%dma_wait3A_511 : memref<!tpu.dma_semaphore, #tpu.memory_space<semaphore_mem>>) src(%dma_wait3A_509 : memref<8192x128xf32, #tpu.memory_space<hbm>>) dst(%dma_wait3A_503 : memref<128x128xf32, #tpu.memory_space<vmem>>)
      %mul3A_512 = arith.constant 128 : i32
      %mul3A_513 = arith.muli %add3A_496, %mul3A_512 : i32
      %add3A_514 = arith.addi %mul3A_2, %mul3A_513 : i32
      %dma_start3A_515 = arith.constant 1 : i32
      %dma_start3A_516 = arith.constant 1 : i32
      %dma_start3A_517 = arith.constant 0 : i32
      %dma_start3A_518 = arith.constant 0 : i32
      %dma_start3A_519 = tpu.memref_slice %arg8[%dma_start3A_515, %dma_start3A_517, %dma_start3A_518] : memref<4x128x128xf32, #tpu.memory_space<vmem>> -> memref<1x128x128xf32, #tpu.memory_space<vmem>>
      %dma_start3A_520 = tpu.memref_squeeze %dma_start3A_519 : memref<1x128x128xf32, #tpu.memory_space<vmem>> -> memref<128x128xf32, #tpu.memory_space<vmem>>
      %dma_start3A_521 = arith.constant 0 : i32
      %dma_start3A_522 = tpu.memref_slice %arg5[%add3A_514, %dma_start3A_521] : memref<851968x128xf32, #tpu.memory_space<hbm>> -> memref<128x128xf32, #tpu.memory_space<hbm>>
      %dma_start3A_523 = tpu.memref_slice %arg15[%dma_start3A_516] : memref<4x!tpu.dma_semaphore, #tpu.memory_space<semaphore_mem>> -> memref<1x!tpu.dma_semaphore, #tpu.memory_space<semaphore_mem>>
      %dma_start3A_524 = tpu.memref_squeeze %dma_start3A_523 : memref<1x!tpu.dma_semaphore, #tpu.memory_space<semaphore_mem>> -> memref<!tpu.dma_semaphore, #tpu.memory_space<semaphore_mem>>
      %dma_start3A_525 = arith.constant 0 : i32
      %dma_start3A_526 = tpu.memref_slice %arg5[%add3A_514, %dma_start3A_525] : memref<851968x128xf32, #tpu.memory_space<hbm>> -> memref<128x128xf32, #tpu.memory_space<hbm>>
      %dma_start3A_527 = arith.constant 0 : i32
      %dma_start3A_528 = arith.constant 0 : i32
      %dma_start3A_529 = tpu.memref_slice %arg8[%dma_start3A_515, %dma_start3A_527, %dma_start3A_528] : memref<4x128x128xf32, #tpu.memory_space<vmem>> -> memref<1x128x128xf32, #tpu.memory_space<vmem>>
      %dma_start3A_530 = tpu.memref_squeeze %dma_start3A_529 : memref<1x128x128xf32, #tpu.memory_space<vmem>> -> memref<128x128xf32, #tpu.memory_space<vmem>>
      tpu.enqueue_dma source(%dma_start3A_530 : memref<128x128xf32, #tpu.memory_space<vmem>>) target(%dma_start3A_526 : memref<128x128xf32, #tpu.memory_space<hbm>>) target_semaphore(%dma_start3A_524 : memref<!tpu.dma_semaphore, #tpu.memory_space<semaphore_mem>>)
      %add3A_531 = arith.constant 2 : i32
      %add3A_532 = arith.addi %add3A_496, %add3A_531 : i32
      %ge3A_533 = arith.constant 2 : i32
      %ge3A_534 = arith.cmpi sge, %add3A_496, %ge3A_533 : i32
      %lt3A_535 = arith.constant 208 : i32
      %lt3A_536 = arith.cmpi slt, %add3A_532, %lt3A_535 : i32
      %and3A_537 = arith.andi %ge3A_534, %lt3A_536 : i1
      %convert_element_type3A_538 = arith.extui %and3A_537 : i1 to i32
      %cond3A_539 = arith.constant 0 : i32
      %cond3A_540 = arith.cmpi ne, %convert_element_type3A_538, %cond3A_539 : i32
      scf.if %cond3A_540 {
        %dma_wait3A_652 = arith.constant 3 : i32
        %dma_wait3A_653 = arith.constant 3 : i32
        %dma_wait3A_654 = arith.constant 0 : i32
        %dma_wait3A_655 = arith.constant 0 : i32
        %dma_wait3A_656 = tpu.memref_slice %arg8[%dma_wait3A_652, %dma_wait3A_654, %dma_wait3A_655] : memref<4x128x128xf32, #tpu.memory_space<vmem>> -> memref<1x128x128xf32, #tpu.memory_space<vmem>>
        %dma_wait3A_657 = tpu.memref_squeeze %dma_wait3A_656 : memref<1x128x128xf32, #tpu.memory_space<vmem>> -> memref<128x128xf32, #tpu.memory_space<vmem>>
        %dma_wait3A_658 = arith.constant 0 : i32
        %dma_wait3A_659 = arith.constant 0 : i32
        %dma_wait3A_660 = tpu.memref_slice %arg5[%dma_wait3A_658, %dma_wait3A_659] : memref<851968x128xf32, #tpu.memory_space<hbm>> -> memref<128x128xf32, #tpu.memory_space<hbm>>
        %dma_wait3A_661 = tpu.memref_slice %arg15[%dma_wait3A_653] : memref<4x!tpu.dma_semaphore, #tpu.memory_space<semaphore_mem>> -> memref<1x!tpu.dma_semaphore, #tpu.memory_space<semaphore_mem>>
        %dma_wait3A_662 = tpu.memref_squeeze %dma_wait3A_661 : memref<1x!tpu.dma_semaphore, #tpu.memory_space<semaphore_mem>> -> memref<!tpu.dma_semaphore, #tpu.memory_space<semaphore_mem>>
        %dma_wait3A_663 = arith.constant 0 : i32
        %dma_wait3A_664 = arith.constant 0 : i32
        %dma_wait3A_665 = tpu.memref_slice %arg5[%dma_wait3A_663, %dma_wait3A_664] : memref<851968x128xf32, #tpu.memory_space<hbm>> -> memref<128x128xf32, #tpu.memory_space<hbm>>
        %dma_wait3A_666 = arith.constant 0 : i32
        %dma_wait3A_667 = arith.constant 0 : i32
        %dma_wait3A_668 = tpu.memref_slice %arg8[%dma_wait3A_652, %dma_wait3A_666, %dma_wait3A_667] : memref<4x128x128xf32, #tpu.memory_space<vmem>> -> memref<1x128x128xf32, #tpu.memory_space<vmem>>
        %dma_wait3A_669 = tpu.memref_squeeze %dma_wait3A_668 : memref<1x128x128xf32, #tpu.memory_space<vmem>> -> memref<128x128xf32, #tpu.memory_space<vmem>>
        tpu.wait_dma2 semaphore(%dma_wait3A_662 : memref<!tpu.dma_semaphore, #tpu.memory_space<semaphore_mem>>) src(%dma_wait3A_669 : memref<128x128xf32, #tpu.memory_space<vmem>>) dst(%dma_wait3A_665 : memref<128x128xf32, #tpu.memory_space<hbm>>)
      } else {
      }
      %lt3A_541 = arith.constant 208 : i32
      %lt3A_542 = arith.cmpi slt, %add3A_532, %lt3A_541 : i32
      %convert_element_type3A_543 = arith.extui %lt3A_542 : i1 to i32
      %cond3A_544 = arith.constant 0 : i32
      %cond3A_545 = arith.cmpi ne, %convert_element_type3A_543, %cond3A_544 : i32
      scf.if %cond3A_545 {
        %dma_start3A_652 = arith.constant 3 : i32
        %dma_start3A_653 = arith.constant 3 : i32
        %dma_start3A_654 = arith.constant 0 : i32
        %dma_start3A_655 = arith.constant 0 : i32
        %dma_start3A_656 = tpu.memref_slice %arg8[%dma_start3A_652, %dma_start3A_654, %dma_start3A_655] : memref<4x128x128xf32, #tpu.memory_space<vmem>> -> memref<1x128x128xf32, #tpu.memory_space<vmem>>
        %dma_start3A_657 = tpu.memref_squeeze %dma_start3A_656 : memref<1x128x128xf32, #tpu.memory_space<vmem>> -> memref<128x128xf32, #tpu.memory_space<vmem>>
        %dma_start3A_658 = arith.constant 0 : i32
        %dma_start3A_659 = tpu.memref_slice %arg7[%add3A_532, %dma_start3A_658] : memref<208x128xi32, #tpu.memory_space<vmem>> -> memref<1x128xi32, #tpu.memory_space<vmem>>
        %dma_start3A_660 = tpu.memref_squeeze %dma_start3A_659 : memref<1x128xi32, #tpu.memory_space<vmem>> -> memref<128xi32, #tpu.memory_space<vmem>>
        %dma_start3A_661 = arith.constant 0 : i32
        %dma_start3A_662 = arith.constant 0 : i32
        %dma_start3A_663 = tpu.memref_slice %arg4[%dma_start3A_661, %dma_start3A_662] : memref<8192x128xf32, #tpu.memory_space<hbm>> -> memref<8192x128xf32, #tpu.memory_space<hbm>>
        %dma_start3A_664 = tpu.memref_slice %arg14[%dma_start3A_653] : memref<4x!tpu.dma_semaphore, #tpu.memory_space<semaphore_mem>> -> memref<1x!tpu.dma_semaphore, #tpu.memory_space<semaphore_mem>>
        %dma_start3A_665 = tpu.memref_squeeze %dma_start3A_664 : memref<1x!tpu.dma_semaphore, #tpu.memory_space<semaphore_mem>> -> memref<!tpu.dma_semaphore, #tpu.memory_space<semaphore_mem>>
        tpu.enqueue_indirect_dma source(%dma_start3A_663 : memref<8192x128xf32, #tpu.memory_space<hbm>>) target(%dma_start3A_657 : memref<128x128xf32, #tpu.memory_space<vmem>>) offsets(%dma_start3A_660 : memref<128xi32, #tpu.memory_space<vmem>>) semaphore(%dma_start3A_665 : memref<!tpu.dma_semaphore, #tpu.memory_space<semaphore_mem>>)
      } else {
      }
      %mul3A_546 = arith.constant 4 : i32
      %mul3A_547 = arith.muli %scan3A_443, %mul3A_546 : i32
      %add3A_548 = arith.constant 2 : i32
      %add3A_549 = arith.addi %mul3A_547, %add3A_548 : i32
      %dma_wait3A_550 = arith.constant 0 : i32
      %dma_wait3A_551 = arith.constant 2 : i32
      %dma_wait3A_552 = arith.constant 2 : i32
      %dma_wait3A_553 = arith.constant 0 : i32
      %dma_wait3A_554 = arith.constant 0 : i32
      %dma_wait3A_555 = tpu.memref_slice %arg8[%dma_wait3A_551, %dma_wait3A_553, %dma_wait3A_554] : memref<4x128x128xf32, #tpu.memory_space<vmem>> -> memref<1x128x128xf32, #tpu.memory_space<vmem>>
      %dma_wait3A_556 = tpu.memref_squeeze %dma_wait3A_555 : memref<1x128x128xf32, #tpu.memory_space<vmem>> -> memref<128x128xf32, #tpu.memory_space<vmem>>
      %dma_wait3A_557 = arith.constant 0 : i32
      %dma_wait3A_558 = tpu.memref_slice %arg7[%dma_wait3A_550, %dma_wait3A_557] : memref<208x128xi32, #tpu.memory_space<vmem>> -> memref<1x128xi32, #tpu.memory_space<vmem>>
      %dma_wait3A_559 = tpu.memref_squeeze %dma_wait3A_558 : memref<1x128xi32, #tpu.memory_space<vmem>> -> memref<128xi32, #tpu.memory_space<vmem>>
      %dma_wait3A_560 = arith.constant 0 : i32
      %dma_wait3A_561 = arith.constant 0 : i32
      %dma_wait3A_562 = tpu.memref_slice %arg4[%dma_wait3A_560, %dma_wait3A_561] : memref<8192x128xf32, #tpu.memory_space<hbm>> -> memref<8192x128xf32, #tpu.memory_space<hbm>>
      %dma_wait3A_563 = tpu.memref_slice %arg14[%dma_wait3A_552] : memref<4x!tpu.dma_semaphore, #tpu.memory_space<semaphore_mem>> -> memref<1x!tpu.dma_semaphore, #tpu.memory_space<semaphore_mem>>
      %dma_wait3A_564 = tpu.memref_squeeze %dma_wait3A_563 : memref<1x!tpu.dma_semaphore, #tpu.memory_space<semaphore_mem>> -> memref<!tpu.dma_semaphore, #tpu.memory_space<semaphore_mem>>
      tpu.wait_indirect_dma semaphore(%dma_wait3A_564 : memref<!tpu.dma_semaphore, #tpu.memory_space<semaphore_mem>>) src(%dma_wait3A_562 : memref<8192x128xf32, #tpu.memory_space<hbm>>) dst(%dma_wait3A_556 : memref<128x128xf32, #tpu.memory_space<vmem>>)
      %mul3A_565 = arith.constant 128 : i32
      %mul3A_566 = arith.muli %add3A_549, %mul3A_565 : i32
      %add3A_567 = arith.addi %mul3A_2, %mul3A_566 : i32
      %dma_start3A_568 = arith.constant 2 : i32
      %dma_start3A_569 = arith.constant 2 : i32
      %dma_start3A_570 = arith.constant 0 : i32
      %dma_start3A_571 = arith.constant 0 : i32
      %dma_start3A_572 = tpu.memref_slice %arg8[%dma_start3A_568, %dma_start3A_570, %dma_start3A_571] : memref<4x128x128xf32, #tpu.memory_space<vmem>> -> memref<1x128x128xf32, #tpu.memory_space<vmem>>
      %dma_start3A_573 = tpu.memref_squeeze %dma_start3A_572 : memref<1x128x128xf32, #tpu.memory_space<vmem>> -> memref<128x128xf32, #tpu.memory_space<vmem>>
      %dma_start3A_574 = arith.constant 0 : i32
      %dma_start3A_575 = tpu.memref_slice %arg5[%add3A_567, %dma_start3A_574] : memref<851968x128xf32, #tpu.memory_space<hbm>> -> memref<128x128xf32, #tpu.memory_space<hbm>>
      %dma_start3A_576 = tpu.memref_slice %arg15[%dma_start3A_569] : memref<4x!tpu.dma_semaphore, #tpu.memory_space<semaphore_mem>> -> memref<1x!tpu.dma_semaphore, #tpu.memory_space<semaphore_mem>>
      %dma_start3A_577 = tpu.memref_squeeze %dma_start3A_576 : memref<1x!tpu.dma_semaphore, #tpu.memory_space<semaphore_mem>> -> memref<!tpu.dma_semaphore, #tpu.memory_space<semaphore_mem>>
      %dma_start3A_578 = arith.constant 0 : i32
      %dma_start3A_579 = tpu.memref_slice %arg5[%add3A_567, %dma_start3A_578] : memref<851968x128xf32, #tpu.memory_space<hbm>> -> memref<128x128xf32, #tpu.memory_space<hbm>>
      %dma_start3A_580 = arith.constant 0 : i32
      %dma_start3A_581 = arith.constant 0 : i32
      %dma_start3A_582 = tpu.memref_slice %arg8[%dma_start3A_568, %dma_start3A_580, %dma_start3A_581] : memref<4x128x128xf32, #tpu.memory_space<vmem>> -> memref<1x128x128xf32, #tpu.memory_space<vmem>>
      %dma_start3A_583 = tpu.memref_squeeze %dma_start3A_582 : memref<1x128x128xf32, #tpu.memory_space<vmem>> -> memref<128x128xf32, #tpu.memory_space<vmem>>
      tpu.enqueue_dma source(%dma_start3A_583 : memref<128x128xf32, #tpu.memory_space<vmem>>) target(%dma_start3A_579 : memref<128x128xf32, #tpu.memory_space<hbm>>) target_semaphore(%dma_start3A_577 : memref<!tpu.dma_semaphore, #tpu.memory_space<semaphore_mem>>)
      %add3A_584 = arith.constant 2 : i32
      %add3A_585 = arith.addi %add3A_549, %add3A_584 : i32
      %ge3A_586 = arith.constant 2 : i32
      %ge3A_587 = arith.cmpi sge, %add3A_549, %ge3A_586 : i32
      %lt3A_588 = arith.constant 208 : i32
      %lt3A_589 = arith.cmpi slt, %add3A_585, %lt3A_588 : i32
      %and3A_590 = arith.andi %ge3A_587, %lt3A_589 : i1
      %convert_element_type3A_591 = arith.extui %and3A_590 : i1 to i32
      %cond3A_592 = arith.constant 0 : i32
      %cond3A_593 = arith.cmpi ne, %convert_element_type3A_591, %cond3A_592 : i32
      scf.if %cond3A_593 {
        %dma_wait3A_652 = arith.constant 0 : i32
        %dma_wait3A_653 = arith.constant 0 : i32
        %dma_wait3A_654 = arith.constant 0 : i32
        %dma_wait3A_655 = arith.constant 0 : i32
        %dma_wait3A_656 = tpu.memref_slice %arg8[%dma_wait3A_652, %dma_wait3A_654, %dma_wait3A_655] : memref<4x128x128xf32, #tpu.memory_space<vmem>> -> memref<1x128x128xf32, #tpu.memory_space<vmem>>
        %dma_wait3A_657 = tpu.memref_squeeze %dma_wait3A_656 : memref<1x128x128xf32, #tpu.memory_space<vmem>> -> memref<128x128xf32, #tpu.memory_space<vmem>>
        %dma_wait3A_658 = arith.constant 0 : i32
        %dma_wait3A_659 = arith.constant 0 : i32
        %dma_wait3A_660 = tpu.memref_slice %arg5[%dma_wait3A_658, %dma_wait3A_659] : memref<851968x128xf32, #tpu.memory_space<hbm>> -> memref<128x128xf32, #tpu.memory_space<hbm>>
        %dma_wait3A_661 = tpu.memref_slice %arg15[%dma_wait3A_653] : memref<4x!tpu.dma_semaphore, #tpu.memory_space<semaphore_mem>> -> memref<1x!tpu.dma_semaphore, #tpu.memory_space<semaphore_mem>>
        %dma_wait3A_662 = tpu.memref_squeeze %dma_wait3A_661 : memref<1x!tpu.dma_semaphore, #tpu.memory_space<semaphore_mem>> -> memref<!tpu.dma_semaphore, #tpu.memory_space<semaphore_mem>>
        %dma_wait3A_663 = arith.constant 0 : i32
        %dma_wait3A_664 = arith.constant 0 : i32
        %dma_wait3A_665 = tpu.memref_slice %arg5[%dma_wait3A_663, %dma_wait3A_664] : memref<851968x128xf32, #tpu.memory_space<hbm>> -> memref<128x128xf32, #tpu.memory_space<hbm>>
        %dma_wait3A_666 = arith.constant 0 : i32
        %dma_wait3A_667 = arith.constant 0 : i32
        %dma_wait3A_668 = tpu.memref_slice %arg8[%dma_wait3A_652, %dma_wait3A_666, %dma_wait3A_667] : memref<4x128x128xf32, #tpu.memory_space<vmem>> -> memref<1x128x128xf32, #tpu.memory_space<vmem>>
        %dma_wait3A_669 = tpu.memref_squeeze %dma_wait3A_668 : memref<1x128x128xf32, #tpu.memory_space<vmem>> -> memref<128x128xf32, #tpu.memory_space<vmem>>
        tpu.wait_dma2 semaphore(%dma_wait3A_662 : memref<!tpu.dma_semaphore, #tpu.memory_space<semaphore_mem>>) src(%dma_wait3A_669 : memref<128x128xf32, #tpu.memory_space<vmem>>) dst(%dma_wait3A_665 : memref<128x128xf32, #tpu.memory_space<hbm>>)
      } else {
      }
      %lt3A_594 = arith.constant 208 : i32
      %lt3A_595 = arith.cmpi slt, %add3A_585, %lt3A_594 : i32
      %convert_element_type3A_596 = arith.extui %lt3A_595 : i1 to i32
      %cond3A_597 = arith.constant 0 : i32
      %cond3A_598 = arith.cmpi ne, %convert_element_type3A_596, %cond3A_597 : i32
      scf.if %cond3A_598 {
        %dma_start3A_652 = arith.constant 0 : i32
        %dma_start3A_653 = arith.constant 0 : i32
        %dma_start3A_654 = arith.constant 0 : i32
        %dma_start3A_655 = arith.constant 0 : i32
        %dma_start3A_656 = tpu.memref_slice %arg8[%dma_start3A_652, %dma_start3A_654, %dma_start3A_655] : memref<4x128x128xf32, #tpu.memory_space<vmem>> -> memref<1x128x128xf32, #tpu.memory_space<vmem>>
        %dma_start3A_657 = tpu.memref_squeeze %dma_start3A_656 : memref<1x128x128xf32, #tpu.memory_space<vmem>> -> memref<128x128xf32, #tpu.memory_space<vmem>>
        %dma_start3A_658 = arith.constant 0 : i32
        %dma_start3A_659 = tpu.memref_slice %arg7[%add3A_585, %dma_start3A_658] : memref<208x128xi32, #tpu.memory_space<vmem>> -> memref<1x128xi32, #tpu.memory_space<vmem>>
        %dma_start3A_660 = tpu.memref_squeeze %dma_start3A_659 : memref<1x128xi32, #tpu.memory_space<vmem>> -> memref<128xi32, #tpu.memory_space<vmem>>
        %dma_start3A_661 = arith.constant 0 : i32
        %dma_start3A_662 = arith.constant 0 : i32
        %dma_start3A_663 = tpu.memref_slice %arg4[%dma_start3A_661, %dma_start3A_662] : memref<8192x128xf32, #tpu.memory_space<hbm>> -> memref<8192x128xf32, #tpu.memory_space<hbm>>
        %dma_start3A_664 = tpu.memref_slice %arg14[%dma_start3A_653] : memref<4x!tpu.dma_semaphore, #tpu.memory_space<semaphore_mem>> -> memref<1x!tpu.dma_semaphore, #tpu.memory_space<semaphore_mem>>
        %dma_start3A_665 = tpu.memref_squeeze %dma_start3A_664 : memref<1x!tpu.dma_semaphore, #tpu.memory_space<semaphore_mem>> -> memref<!tpu.dma_semaphore, #tpu.memory_space<semaphore_mem>>
        tpu.enqueue_indirect_dma source(%dma_start3A_663 : memref<8192x128xf32, #tpu.memory_space<hbm>>) target(%dma_start3A_657 : memref<128x128xf32, #tpu.memory_space<vmem>>) offsets(%dma_start3A_660 : memref<128xi32, #tpu.memory_space<vmem>>) semaphore(%dma_start3A_665 : memref<!tpu.dma_semaphore, #tpu.memory_space<semaphore_mem>>)
      } else {
      }
      %mul3A_599 = arith.constant 4 : i32
      %mul3A_600 = arith.muli %scan3A_443, %mul3A_599 : i32
      %add3A_601 = arith.constant 3 : i32
      %add3A_602 = arith.addi %mul3A_600, %add3A_601 : i32
      %dma_wait3A_603 = arith.constant 0 : i32
      %dma_wait3A_604 = arith.constant 3 : i32
      %dma_wait3A_605 = arith.constant 3 : i32
      %dma_wait3A_606 = arith.constant 0 : i32
      %dma_wait3A_607 = arith.constant 0 : i32
      %dma_wait3A_608 = tpu.memref_slice %arg8[%dma_wait3A_604, %dma_wait3A_606, %dma_wait3A_607] : memref<4x128x128xf32, #tpu.memory_space<vmem>> -> memref<1x128x128xf32, #tpu.memory_space<vmem>>
      %dma_wait3A_609 = tpu.memref_squeeze %dma_wait3A_608 : memref<1x128x128xf32, #tpu.memory_space<vmem>> -> memref<128x128xf32, #tpu.memory_space<vmem>>
      %dma_wait3A_610 = arith.constant 0 : i32
      %dma_wait3A_611 = tpu.memref_slice %arg7[%dma_wait3A_603, %dma_wait3A_610] : memref<208x128xi32, #tpu.memory_space<vmem>> -> memref<1x128xi32, #tpu.memory_space<vmem>>
      %dma_wait3A_612 = tpu.memref_squeeze %dma_wait3A_611 : memref<1x128xi32, #tpu.memory_space<vmem>> -> memref<128xi32, #tpu.memory_space<vmem>>
      %dma_wait3A_613 = arith.constant 0 : i32
      %dma_wait3A_614 = arith.constant 0 : i32
      %dma_wait3A_615 = tpu.memref_slice %arg4[%dma_wait3A_613, %dma_wait3A_614] : memref<8192x128xf32, #tpu.memory_space<hbm>> -> memref<8192x128xf32, #tpu.memory_space<hbm>>
      %dma_wait3A_616 = tpu.memref_slice %arg14[%dma_wait3A_605] : memref<4x!tpu.dma_semaphore, #tpu.memory_space<semaphore_mem>> -> memref<1x!tpu.dma_semaphore, #tpu.memory_space<semaphore_mem>>
      %dma_wait3A_617 = tpu.memref_squeeze %dma_wait3A_616 : memref<1x!tpu.dma_semaphore, #tpu.memory_space<semaphore_mem>> -> memref<!tpu.dma_semaphore, #tpu.memory_space<semaphore_mem>>
      tpu.wait_indirect_dma semaphore(%dma_wait3A_617 : memref<!tpu.dma_semaphore, #tpu.memory_space<semaphore_mem>>) src(%dma_wait3A_615 : memref<8192x128xf32, #tpu.memory_space<hbm>>) dst(%dma_wait3A_609 : memref<128x128xf32, #tpu.memory_space<vmem>>)
      %mul3A_618 = arith.constant 128 : i32
      %mul3A_619 = arith.muli %add3A_602, %mul3A_618 : i32
      %add3A_620 = arith.addi %mul3A_2, %mul3A_619 : i32
      %dma_start3A_621 = arith.constant 3 : i32
      %dma_start3A_622 = arith.constant 3 : i32
      %dma_start3A_623 = arith.constant 0 : i32
      %dma_start3A_624 = arith.constant 0 : i32
      %dma_start3A_625 = tpu.memref_slice %arg8[%dma_start3A_621, %dma_start3A_623, %dma_start3A_624] : memref<4x128x128xf32, #tpu.memory_space<vmem>> -> memref<1x128x128xf32, #tpu.memory_space<vmem>>
      %dma_start3A_626 = tpu.memref_squeeze %dma_start3A_625 : memref<1x128x128xf32, #tpu.memory_space<vmem>> -> memref<128x128xf32, #tpu.memory_space<vmem>>
      %dma_start3A_627 = arith.constant 0 : i32
      %dma_start3A_628 = tpu.memref_slice %arg5[%add3A_620, %dma_start3A_627] : memref<851968x128xf32, #tpu.memory_space<hbm>> -> memref<128x128xf32, #tpu.memory_space<hbm>>
      %dma_start3A_629 = tpu.memref_slice %arg15[%dma_start3A_622] : memref<4x!tpu.dma_semaphore, #tpu.memory_space<semaphore_mem>> -> memref<1x!tpu.dma_semaphore, #tpu.memory_space<semaphore_mem>>
      %dma_start3A_630 = tpu.memref_squeeze %dma_start3A_629 : memref<1x!tpu.dma_semaphore, #tpu.memory_space<semaphore_mem>> -> memref<!tpu.dma_semaphore, #tpu.memory_space<semaphore_mem>>
      %dma_start3A_631 = arith.constant 0 : i32
      %dma_start3A_632 = tpu.memref_slice %arg5[%add3A_620, %dma_start3A_631] : memref<851968x128xf32, #tpu.memory_space<hbm>> -> memref<128x128xf32, #tpu.memory_space<hbm>>
      %dma_start3A_633 = arith.constant 0 : i32
      %dma_start3A_634 = arith.constant 0 : i32
      %dma_start3A_635 = tpu.memref_slice %arg8[%dma_start3A_621, %dma_start3A_633, %dma_start3A_634] : memref<4x128x128xf32, #tpu.memory_space<vmem>> -> memref<1x128x128xf32, #tpu.memory_space<vmem>>
      %dma_start3A_636 = tpu.memref_squeeze %dma_start3A_635 : memref<1x128x128xf32, #tpu.memory_space<vmem>> -> memref<128x128xf32, #tpu.memory_space<vmem>>
      tpu.enqueue_dma source(%dma_start3A_636 : memref<128x128xf32, #tpu.memory_space<vmem>>) target(%dma_start3A_632 : memref<128x128xf32, #tpu.memory_space<hbm>>) target_semaphore(%dma_start3A_630 : memref<!tpu.dma_semaphore, #tpu.memory_space<semaphore_mem>>)
      %add3A_637 = arith.constant 2 : i32
      %add3A_638 = arith.addi %add3A_602, %add3A_637 : i32
      %ge3A_639 = arith.constant 2 : i32
      %ge3A_640 = arith.cmpi sge, %add3A_602, %ge3A_639 : i32
      %lt3A_641 = arith.constant 208 : i32
      %lt3A_642 = arith.cmpi slt, %add3A_638, %lt3A_641 : i32
      %and3A_643 = arith.andi %ge3A_640, %lt3A_642 : i1
      %convert_element_type3A_644 = arith.extui %and3A_643 : i1 to i32
      %cond3A_645 = arith.constant 0 : i32
      %cond3A_646 = arith.cmpi ne, %convert_element_type3A_644, %cond3A_645 : i32
      scf.if %cond3A_646 {
        %dma_wait3A_652 = arith.constant 1 : i32
        %dma_wait3A_653 = arith.constant 1 : i32
        %dma_wait3A_654 = arith.constant 0 : i32
        %dma_wait3A_655 = arith.constant 0 : i32
        %dma_wait3A_656 = tpu.memref_slice %arg8[%dma_wait3A_652, %dma_wait3A_654, %dma_wait3A_655] : memref<4x128x128xf32, #tpu.memory_space<vmem>> -> memref<1x128x128xf32, #tpu.memory_space<vmem>>
        %dma_wait3A_657 = tpu.memref_squeeze %dma_wait3A_656 : memref<1x128x128xf32, #tpu.memory_space<vmem>> -> memref<128x128xf32, #tpu.memory_space<vmem>>
        %dma_wait3A_658 = arith.constant 0 : i32
        %dma_wait3A_659 = arith.constant 0 : i32
        %dma_wait3A_660 = tpu.memref_slice %arg5[%dma_wait3A_658, %dma_wait3A_659] : memref<851968x128xf32, #tpu.memory_space<hbm>> -> memref<128x128xf32, #tpu.memory_space<hbm>>
        %dma_wait3A_661 = tpu.memref_slice %arg15[%dma_wait3A_653] : memref<4x!tpu.dma_semaphore, #tpu.memory_space<semaphore_mem>> -> memref<1x!tpu.dma_semaphore, #tpu.memory_space<semaphore_mem>>
        %dma_wait3A_662 = tpu.memref_squeeze %dma_wait3A_661 : memref<1x!tpu.dma_semaphore, #tpu.memory_space<semaphore_mem>> -> memref<!tpu.dma_semaphore, #tpu.memory_space<semaphore_mem>>
        %dma_wait3A_663 = arith.constant 0 : i32
        %dma_wait3A_664 = arith.constant 0 : i32
        %dma_wait3A_665 = tpu.memref_slice %arg5[%dma_wait3A_663, %dma_wait3A_664] : memref<851968x128xf32, #tpu.memory_space<hbm>> -> memref<128x128xf32, #tpu.memory_space<hbm>>
        %dma_wait3A_666 = arith.constant 0 : i32
        %dma_wait3A_667 = arith.constant 0 : i32
        %dma_wait3A_668 = tpu.memref_slice %arg8[%dma_wait3A_652, %dma_wait3A_666, %dma_wait3A_667] : memref<4x128x128xf32, #tpu.memory_space<vmem>> -> memref<1x128x128xf32, #tpu.memory_space<vmem>>
        %dma_wait3A_669 = tpu.memref_squeeze %dma_wait3A_668 : memref<1x128x128xf32, #tpu.memory_space<vmem>> -> memref<128x128xf32, #tpu.memory_space<vmem>>
        tpu.wait_dma2 semaphore(%dma_wait3A_662 : memref<!tpu.dma_semaphore, #tpu.memory_space<semaphore_mem>>) src(%dma_wait3A_669 : memref<128x128xf32, #tpu.memory_space<vmem>>) dst(%dma_wait3A_665 : memref<128x128xf32, #tpu.memory_space<hbm>>)
      } else {
      }
      %lt3A_647 = arith.constant 208 : i32
      %lt3A_648 = arith.cmpi slt, %add3A_638, %lt3A_647 : i32
      %convert_element_type3A_649 = arith.extui %lt3A_648 : i1 to i32
      %cond3A_650 = arith.constant 0 : i32
      %cond3A_651 = arith.cmpi ne, %convert_element_type3A_649, %cond3A_650 : i32
      scf.if %cond3A_651 {
        %dma_start3A_652 = arith.constant 1 : i32
        %dma_start3A_653 = arith.constant 1 : i32
        %dma_start3A_654 = arith.constant 0 : i32
        %dma_start3A_655 = arith.constant 0 : i32
        %dma_start3A_656 = tpu.memref_slice %arg8[%dma_start3A_652, %dma_start3A_654, %dma_start3A_655] : memref<4x128x128xf32, #tpu.memory_space<vmem>> -> memref<1x128x128xf32, #tpu.memory_space<vmem>>
        %dma_start3A_657 = tpu.memref_squeeze %dma_start3A_656 : memref<1x128x128xf32, #tpu.memory_space<vmem>> -> memref<128x128xf32, #tpu.memory_space<vmem>>
        %dma_start3A_658 = arith.constant 0 : i32
        %dma_start3A_659 = tpu.memref_slice %arg7[%add3A_638, %dma_start3A_658] : memref<208x128xi32, #tpu.memory_space<vmem>> -> memref<1x128xi32, #tpu.memory_space<vmem>>
        %dma_start3A_660 = tpu.memref_squeeze %dma_start3A_659 : memref<1x128xi32, #tpu.memory_space<vmem>> -> memref<128xi32, #tpu.memory_space<vmem>>
        %dma_start3A_661 = arith.constant 0 : i32
        %dma_start3A_662 = arith.constant 0 : i32
        %dma_start3A_663 = tpu.memref_slice %arg4[%dma_start3A_661, %dma_start3A_662] : memref<8192x128xf32, #tpu.memory_space<hbm>> -> memref<8192x128xf32, #tpu.memory_space<hbm>>
        %dma_start3A_664 = tpu.memref_slice %arg14[%dma_start3A_653] : memref<4x!tpu.dma_semaphore, #tpu.memory_space<semaphore_mem>> -> memref<1x!tpu.dma_semaphore, #tpu.memory_space<semaphore_mem>>
        %dma_start3A_665 = tpu.memref_squeeze %dma_start3A_664 : memref<1x!tpu.dma_semaphore, #tpu.memory_space<semaphore_mem>> -> memref<!tpu.dma_semaphore, #tpu.memory_space<semaphore_mem>>
        tpu.enqueue_indirect_dma source(%dma_start3A_663 : memref<8192x128xf32, #tpu.memory_space<hbm>>) target(%dma_start3A_657 : memref<128x128xf32, #tpu.memory_space<vmem>>) offsets(%dma_start3A_660 : memref<128xi32, #tpu.memory_space<vmem>>) semaphore(%dma_start3A_665 : memref<!tpu.dma_semaphore, #tpu.memory_space<semaphore_mem>>)
      } else {
      }
    }
    %scan3A_44 = arith.constant 52 : i32
    %dma_wait3A = arith.constant 0 : i32
    %dma_wait3A_45 = arith.constant 0 : i32
    %dma_wait3A_46 = arith.constant 0 : i32
    %dma_wait3A_47 = arith.constant 0 : i32
    %dma_wait3A_48 = tpu.memref_slice %arg8[%dma_wait3A, %dma_wait3A_46, %dma_wait3A_47] : memref<4x128x128xf32, #tpu.memory_space<vmem>> -> memref<1x128x128xf32, #tpu.memory_space<vmem>>
    %dma_wait3A_49 = tpu.memref_squeeze %dma_wait3A_48 : memref<1x128x128xf32, #tpu.memory_space<vmem>> -> memref<128x128xf32, #tpu.memory_space<vmem>>
    %dma_wait3A_50 = arith.constant 0 : i32
    %dma_wait3A_51 = arith.constant 0 : i32
    %dma_wait3A_52 = tpu.memref_slice %arg5[%dma_wait3A_50, %dma_wait3A_51] : memref<851968x128xf32, #tpu.memory_space<hbm>> -> memref<128x128xf32, #tpu.memory_space<hbm>>
    %dma_wait3A_53 = tpu.memref_slice %arg15[%dma_wait3A_45] : memref<4x!tpu.dma_semaphore, #tpu.memory_space<semaphore_mem>> -> memref<1x!tpu.dma_semaphore, #tpu.memory_space<semaphore_mem>>
    %dma_wait3A_54 = tpu.memref_squeeze %dma_wait3A_53 : memref<1x!tpu.dma_semaphore, #tpu.memory_space<semaphore_mem>> -> memref<!tpu.dma_semaphore, #tpu.memory_space<semaphore_mem>>
    %dma_wait3A_55 = arith.constant 0 : i32
    %dma_wait3A_56 = arith.constant 0 : i32
    %dma_wait3A_57 = tpu.memref_slice %arg5[%dma_wait3A_55, %dma_wait3A_56] : memref<851968x128xf32, #tpu.memory_space<hbm>> -> memref<128x128xf32, #tpu.memory_space<hbm>>
    %dma_wait3A_58 = arith.constant 0 : i32
    %dma_wait3A_59 = arith.constant 0 : i32
    %dma_wait3A_60 = tpu.memref_slice %arg8[%dma_wait3A, %dma_wait3A_58, %dma_wait3A_59] : memref<4x128x128xf32, #tpu.memory_space<vmem>> -> memref<1x128x128xf32, #tpu.memory_space<vmem>>
    %dma_wait3A_61 = tpu.memref_squeeze %dma_wait3A_60 : memref<1x128x128xf32, #tpu.memory_space<vmem>> -> memref<128x128xf32, #tpu.memory_space<vmem>>
    tpu.wait_dma2 semaphore(%dma_wait3A_54 : memref<!tpu.dma_semaphore, #tpu.memory_space<semaphore_mem>>) src(%dma_wait3A_61 : memref<128x128xf32, #tpu.memory_space<vmem>>) dst(%dma_wait3A_57 : memref<128x128xf32, #tpu.memory_space<hbm>>)
    %dma_wait3A_62 = arith.constant 1 : i32
    %dma_wait3A_63 = arith.constant 1 : i32
    %dma_wait3A_64 = arith.constant 0 : i32
    %dma_wait3A_65 = arith.constant 0 : i32
    %dma_wait3A_66 = tpu.memref_slice %arg8[%dma_wait3A_62, %dma_wait3A_64, %dma_wait3A_65] : memref<4x128x128xf32, #tpu.memory_space<vmem>> -> memref<1x128x128xf32, #tpu.memory_space<vmem>>
    %dma_wait3A_67 = tpu.memref_squeeze %dma_wait3A_66 : memref<1x128x128xf32, #tpu.memory_space<vmem>> -> memref<128x128xf32, #tpu.memory_space<vmem>>
    %dma_wait3A_68 = arith.constant 0 : i32
    %dma_wait3A_69 = arith.constant 0 : i32
    %dma_wait3A_70 = tpu.memref_slice %arg5[%dma_wait3A_68, %dma_wait3A_69] : memref<851968x128xf32, #tpu.memory_space<hbm>> -> memref<128x128xf32, #tpu.memory_space<hbm>>
    %dma_wait3A_71 = tpu.memref_slice %arg15[%dma_wait3A_63] : memref<4x!tpu.dma_semaphore, #tpu.memory_space<semaphore_mem>> -> memref<1x!tpu.dma_semaphore, #tpu.memory_space<semaphore_mem>>
    %dma_wait3A_72 = tpu.memref_squeeze %dma_wait3A_71 : memref<1x!tpu.dma_semaphore, #tpu.memory_space<semaphore_mem>> -> memref<!tpu.dma_semaphore, #tpu.memory_space<semaphore_mem>>
    %dma_wait3A_73 = arith.constant 0 : i32
    %dma_wait3A_74 = arith.constant 0 : i32
    %dma_wait3A_75 = tpu.memref_slice %arg5[%dma_wait3A_73, %dma_wait3A_74] : memref<851968x128xf32, #tpu.memory_space<hbm>> -> memref<128x128xf32, #tpu.memory_space<hbm>>
    %dma_wait3A_76 = arith.constant 0 : i32
    %dma_wait3A_77 = arith.constant 0 : i32
    %dma_wait3A_78 = tpu.memref_slice %arg8[%dma_wait3A_62, %dma_wait3A_76, %dma_wait3A_77] : memref<4x128x128xf32, #tpu.memory_space<vmem>> -> memref<1x128x128xf32, #tpu.memory_space<vmem>>
    %dma_wait3A_79 = tpu.memref_squeeze %dma_wait3A_78 : memref<1x128x128xf32, #tpu.memory_space<vmem>> -> memref<128x128xf32, #tpu.memory_space<vmem>>
    tpu.wait_dma2 semaphore(%dma_wait3A_72 : memref<!tpu.dma_semaphore, #tpu.memory_space<semaphore_mem>>) src(%dma_wait3A_79 : memref<128x128xf32, #tpu.memory_space<vmem>>) dst(%dma_wait3A_75 : memref<128x128xf32, #tpu.memory_space<hbm>>)
    %dma_wait3A_80 = arith.constant 2 : i32
    %dma_wait3A_81 = arith.constant 2 : i32
    %dma_wait3A_82 = arith.constant 0 : i32
    %dma_wait3A_83 = arith.constant 0 : i32
    %dma_wait3A_84 = tpu.memref_slice %arg8[%dma_wait3A_80, %dma_wait3A_82, %dma_wait3A_83] : memref<4x128x128xf32, #tpu.memory_space<vmem>> -> memref<1x128x128xf32, #tpu.memory_space<vmem>>
    %dma_wait3A_85 = tpu.memref_squeeze %dma_wait3A_84 : memref<1x128x128xf32, #tpu.memory_space<vmem>> -> memref<128x128xf32, #tpu.memory_space<vmem>>
    %dma_wait3A_86 = arith.constant 0 : i32
    %dma_wait3A_87 = arith.constant 0 : i32
    %dma_wait3A_88 = tpu.memref_slice %arg5[%dma_wait3A_86, %dma_wait3A_87] : memref<851968x128xf32, #tpu.memory_space<hbm>> -> memref<128x128xf32, #tpu.memory_space<hbm>>
    %dma_wait3A_89 = tpu.memref_slice %arg15[%dma_wait3A_81] : memref<4x!tpu.dma_semaphore, #tpu.memory_space<semaphore_mem>> -> memref<1x!tpu.dma_semaphore, #tpu.memory_space<semaphore_mem>>
    %dma_wait3A_90 = tpu.memref_squeeze %dma_wait3A_89 : memref<1x!tpu.dma_semaphore, #tpu.memory_space<semaphore_mem>> -> memref<!tpu.dma_semaphore, #tpu.memory_space<semaphore_mem>>
    %dma_wait3A_91 = arith.constant 0 : i32
    %dma_wait3A_92 = arith.constant 0 : i32
    %dma_wait3A_93 = tpu.memref_slice %arg5[%dma_wait3A_91, %dma_wait3A_92] : memref<851968x128xf32, #tpu.memory_space<hbm>> -> memref<128x128xf32, #tpu.memory_space<hbm>>
    %dma_wait3A_94 = arith.constant 0 : i32
    %dma_wait3A_95 = arith.constant 0 : i32
    %dma_wait3A_96 = tpu.memref_slice %arg8[%dma_wait3A_80, %dma_wait3A_94, %dma_wait3A_95] : memref<4x128x128xf32, #tpu.memory_space<vmem>> -> memref<1x128x128xf32, #tpu.memory_space<vmem>>
    %dma_wait3A_97 = tpu.memref_squeeze %dma_wait3A_96 : memref<1x128x128xf32, #tpu.memory_space<vmem>> -> memref<128x128xf32, #tpu.memory_space<vmem>>
    tpu.wait_dma2 semaphore(%dma_wait3A_90 : memref<!tpu.dma_semaphore, #tpu.memory_space<semaphore_mem>>) src(%dma_wait3A_97 : memref<128x128xf32, #tpu.memory_space<vmem>>) dst(%dma_wait3A_93 : memref<128x128xf32, #tpu.memory_space<hbm>>)
    %dma_wait3A_98 = arith.constant 3 : i32
    %dma_wait3A_99 = arith.constant 3 : i32
    %dma_wait3A_100 = arith.constant 0 : i32
    %dma_wait3A_101 = arith.constant 0 : i32
    %dma_wait3A_102 = tpu.memref_slice %arg8[%dma_wait3A_98, %dma_wait3A_100, %dma_wait3A_101] : memref<4x128x128xf32, #tpu.memory_space<vmem>> -> memref<1x128x128xf32, #tpu.memory_space<vmem>>
    %dma_wait3A_103 = tpu.memref_squeeze %dma_wait3A_102 : memref<1x128x128xf32, #tpu.memory_space<vmem>> -> memref<128x128xf32, #tpu.memory_space<vmem>>
    %dma_wait3A_104 = arith.constant 0 : i32
    %dma_wait3A_105 = arith.constant 0 : i32
    %dma_wait3A_106 = tpu.memref_slice %arg5[%dma_wait3A_104, %dma_wait3A_105] : memref<851968x128xf32, #tpu.memory_space<hbm>> -> memref<128x128xf32, #tpu.memory_space<hbm>>
    %dma_wait3A_107 = tpu.memref_slice %arg15[%dma_wait3A_99] : memref<4x!tpu.dma_semaphore, #tpu.memory_space<semaphore_mem>> -> memref<1x!tpu.dma_semaphore, #tpu.memory_space<semaphore_mem>>
    %dma_wait3A_108 = tpu.memref_squeeze %dma_wait3A_107 : memref<1x!tpu.dma_semaphore, #tpu.memory_space<semaphore_mem>> -> memref<!tpu.dma_semaphore, #tpu.memory_space<semaphore_mem>>
    %dma_wait3A_109 = arith.constant 0 : i32
    %dma_wait3A_110 = arith.constant 0 : i32
    %dma_wait3A_111 = tpu.memref_slice %arg5[%dma_wait3A_109, %dma_wait3A_110] : memref<851968x128xf32, #tpu.memory_space<hbm>> -> memref<128x128xf32, #tpu.memory_space<hbm>>
    %dma_wait3A_112 = arith.constant 0 : i32
    %dma_wait3A_113 = arith.constant 0 : i32
    %dma_wait3A_114 = tpu.memref_slice %arg8[%dma_wait3A_98, %dma_wait3A_112, %dma_wait3A_113] : memref<4x128x128xf32, #tpu.memory_space<vmem>> -> memref<1x128x128xf32, #tpu.memory_space<vmem>>
    %dma_wait3A_115 = tpu.memref_squeeze %dma_wait3A_114 : memref<1x128x128xf32, #tpu.memory_space<vmem>> -> memref<128x128xf32, #tpu.memory_space<vmem>>
    tpu.wait_dma2 semaphore(%dma_wait3A_108 : memref<!tpu.dma_semaphore, #tpu.memory_space<semaphore_mem>>) src(%dma_wait3A_115 : memref<128x128xf32, #tpu.memory_space<vmem>>) dst(%dma_wait3A_111 : memref<128x128xf32, #tpu.memory_space<hbm>>)
    %mul3A_116 = arith.constant 128 : i32
    %mul3A_117 = arith.muli %add3A, %mul3A_116 : i32
    "tpu.region"() ({
      %run_scoped3A = tpu.sem_alloc : memref<!tpu.dma_semaphore, #tpu.memory_space<semaphore_mem>>
      %dma_start3A_443 = tpu.memref_slice %arg3[%mul3A_117] : memref<4096xi32, #tpu.memory_space<hbm>> -> memref<128xi32, #tpu.memory_space<hbm>>
      %dma_start3A_444 = tpu.memref_slice %arg3[%mul3A_117] : memref<4096xi32, #tpu.memory_space<hbm>> -> memref<128xi32, #tpu.memory_space<hbm>>
      tpu.enqueue_dma source(%dma_start3A_444 : memref<128xi32, #tpu.memory_space<hbm>>) target(%arg9 : memref<128xi32, #tpu.memory_space<vmem>>) target_semaphore(%run_scoped3A : memref<!tpu.dma_semaphore, #tpu.memory_space<semaphore_mem>>)
      %dma_wait3A_445 = tpu.memref_slice %arg3[%mul3A_117] : memref<4096xi32, #tpu.memory_space<hbm>> -> memref<128xi32, #tpu.memory_space<hbm>>
      %dma_wait3A_446 = tpu.memref_slice %arg3[%mul3A_117] : memref<4096xi32, #tpu.memory_space<hbm>> -> memref<128xi32, #tpu.memory_space<hbm>>
      tpu.wait_dma2 semaphore(%run_scoped3A : memref<!tpu.dma_semaphore, #tpu.memory_space<semaphore_mem>>) src(%dma_wait3A_446 : memref<128xi32, #tpu.memory_space<hbm>>) dst(%arg9 : memref<128xi32, #tpu.memory_space<vmem>>)
      tpu.yield
    }) : () -> ()
    %get3A = arith.constant 0 : index
    %get3A_118 = tpu.vector_load %arg9[%get3A] {strides = array<i32>} : memref<128xi32, #tpu.memory_space<vmem>>, vector<16xi32>,
    %get3A_119 = vector.shape_cast %get3A_118 : vector<16xi32> to vector<16xi32>
    %add3A_120 = arith.constant 0 : i32
    %add3A_121 = arith.addi %mul3A_117, %add3A_120 : i32
    %add3A_122 = vector.broadcast %add3A_121 : i32 to vector<16xi32>
    %add3A_123 = arith.addi %iota3A, %add3A_122 : vector<16xi32>
    %mul3A_124 = arith.constant 208 : i32
    %mul3A_125 = vector.broadcast %mul3A_124 : i32 to vector<16xi32>
    %mul3A_126 = arith.muli %add3A_123, %mul3A_125 : vector<16xi32>
    %add3A_127 = arith.addi %mul3A_126, %get3A_119 : vector<16xi32>
    %swap3A = arith.constant 0 : index
    %swap3A_128 = tpu.vector_load %arg10[%swap3A] {strides = array<i32>} : memref<128xi32, #tpu.memory_space<vmem>>, vector<16xi32>,
    %swap3A_129 = vector.shape_cast %swap3A_128 : vector<16xi32> to vector<16xi32>
    %swap3A_130 = vector.shape_cast %add3A_127 : vector<16xi32> to vector<16xi32>
    tpu.vector_store %arg10[%swap3A], %swap3A_130 {strides = array<i32>} : memref<128xi32, #tpu.memory_space<vmem>>, vector<16xi32>,
    %add3A_131 = arith.constant 1 : i32
    %add3A_132 = vector.broadcast %add3A_131 : i32 to vector<16xi32>
    %add3A_133 = arith.addi %get3A_119, %add3A_132 : vector<16xi32>
    %swap3A_134 = arith.constant 0 : index
    %swap3A_135 = tpu.vector_load %arg13[%swap3A_134] {strides = array<i32>} : memref<128xi32, #tpu.memory_space<vmem>>, vector<16xi32>,
    %swap3A_136 = vector.shape_cast %swap3A_135 : vector<16xi32> to vector<16xi32>
    %swap3A_137 = vector.shape_cast %add3A_133 : vector<16xi32> to vector<16xi32>
    tpu.vector_store %arg13[%swap3A_134], %swap3A_137 {strides = array<i32>} : memref<128xi32, #tpu.memory_space<vmem>>, vector<16xi32>,
    %add3A_138 = arith.constant 0 : i32
    %add3A_139 = vector.broadcast %add3A_138 : i32 to vector<16xi32>
    %add3A_140 = arith.addi %iota3A, %add3A_139 : vector<16xi32>
    %and3A = arith.constant 2047 : i32
    %and3A_141 = vector.broadcast %and3A : i32 to vector<16xi32>
    %and3A_142 = arith.andi %add3A_140, %and3A_141 : vector<16xi32>
    %mul3A_143 = arith.constant 4 : i32
    %mul3A_144 = vector.broadcast %mul3A_143 : i32 to vector<16xi32>
    %mul3A_145 = arith.muli %and3A_142, %mul3A_144 : vector<16xi32>
    %add3A_146 = arith.constant 3 : i32
    %add3A_147 = vector.broadcast %add3A_146 : i32 to vector<16xi32>
    %add3A_148 = arith.addi %mul3A_145, %add3A_147 : vector<16xi32>
    %swap3A_149 = arith.constant 0 : index
    %swap3A_150 = tpu.vector_load %arg11[%swap3A_149] {strides = array<i32>} : memref<128xi32, #tpu.memory_space<vmem>>, vector<16xi32>,
    %swap3A_151 = vector.shape_cast %swap3A_150 : vector<16xi32> to vector<16xi32>
    %swap3A_152 = vector.shape_cast %add3A_148 : vector<16xi32> to vector<16xi32>
    tpu.vector_store %arg11[%swap3A_149], %swap3A_152 {strides = array<i32>} : memref<128xi32, #tpu.memory_space<vmem>>, vector<16xi32>,
    %get3A_153 = arith.constant 16 : index
    %get3A_154 = tpu.vector_load %arg9[%get3A_153] {strides = array<i32>} : memref<128xi32, #tpu.memory_space<vmem>>, vector<16xi32>,
    %get3A_155 = vector.shape_cast %get3A_154 : vector<16xi32> to vector<16xi32>
    %add3A_156 = arith.constant 16 : i32
    %add3A_157 = arith.addi %mul3A_117, %add3A_156 : i32
    %add3A_158 = vector.broadcast %add3A_157 : i32 to vector<16xi32>
    %add3A_159 = arith.addi %iota3A, %add3A_158 : vector<16xi32>
    %mul3A_160 = arith.constant 208 : i32
    %mul3A_161 = vector.broadcast %mul3A_160 : i32 to vector<16xi32>
    %mul3A_162 = arith.muli %add3A_159, %mul3A_161 : vector<16xi32>
    %add3A_163 = arith.addi %mul3A_162, %get3A_155 : vector<16xi32>
    %swap3A_164 = arith.constant 16 : index
    %swap3A_165 = tpu.vector_load %arg10[%swap3A_164] {strides = array<i32>} : memref<128xi32, #tpu.memory_space<vmem>>, vector<16xi32>,
    %swap3A_166 = vector.shape_cast %swap3A_165 : vector<16xi32> to vector<16xi32>
    %swap3A_167 = vector.shape_cast %add3A_163 : vector<16xi32> to vector<16xi32>
    tpu.vector_store %arg10[%swap3A_164], %swap3A_167 {strides = array<i32>} : memref<128xi32, #tpu.memory_space<vmem>>, vector<16xi32>,
    %add3A_168 = arith.constant 1 : i32
    %add3A_169 = vector.broadcast %add3A_168 : i32 to vector<16xi32>
    %add3A_170 = arith.addi %get3A_155, %add3A_169 : vector<16xi32>
    %swap3A_171 = arith.constant 16 : index
    %swap3A_172 = tpu.vector_load %arg13[%swap3A_171] {strides = array<i32>} : memref<128xi32, #tpu.memory_space<vmem>>, vector<16xi32>,
    %swap3A_173 = vector.shape_cast %swap3A_172 : vector<16xi32> to vector<16xi32>
    %swap3A_174 = vector.shape_cast %add3A_170 : vector<16xi32> to vector<16xi32>
    tpu.vector_store %arg13[%swap3A_171], %swap3A_174 {strides = array<i32>} : memref<128xi32, #tpu.memory_space<vmem>>, vector<16xi32>,
    %add3A_175 = arith.constant 16 : i32
    %add3A_176 = vector.broadcast %add3A_175 : i32 to vector<16xi32>
    %add3A_177 = arith.addi %iota3A, %add3A_176 : vector<16xi32>
    %and3A_178 = arith.constant 2047 : i32
    %and3A_179 = vector.broadcast %and3A_178 : i32 to vector<16xi32>
    %and3A_180 = arith.andi %add3A_177, %and3A_179 : vector<16xi32>
    %mul3A_181 = arith.constant 4 : i32
    %mul3A_182 = vector.broadcast %mul3A_181 : i32 to vector<16xi32>
    %mul3A_183 = arith.muli %and3A_180, %mul3A_182 : vector<16xi32>
    %add3A_184 = arith.constant 3 : i32
    %add3A_185 = vector.broadcast %add3A_184 : i32 to vector<16xi32>
    %add3A_186 = arith.addi %mul3A_183, %add3A_185 : vector<16xi32>
    %swap3A_187 = arith.constant 16 : index
    %swap3A_188 = tpu.vector_load %arg11[%swap3A_187] {strides = array<i32>} : memref<128xi32, #tpu.memory_space<vmem>>, vector<16xi32>,
    %swap3A_189 = vector.shape_cast %swap3A_188 : vector<16xi32> to vector<16xi32>
    %swap3A_190 = vector.shape_cast %add3A_186 : vector<16xi32> to vector<16xi32>
    tpu.vector_store %arg11[%swap3A_187], %swap3A_190 {strides = array<i32>} : memref<128xi32, #tpu.memory_space<vmem>>, vector<16xi32>,
    %get3A_191 = arith.constant 32 : index
    %get3A_192 = tpu.vector_load %arg9[%get3A_191] {strides = array<i32>} : memref<128xi32, #tpu.memory_space<vmem>>, vector<16xi32>,
    %get3A_193 = vector.shape_cast %get3A_192 : vector<16xi32> to vector<16xi32>
    %add3A_194 = arith.constant 32 : i32
    %add3A_195 = arith.addi %mul3A_117, %add3A_194 : i32
    %add3A_196 = vector.broadcast %add3A_195 : i32 to vector<16xi32>
    %add3A_197 = arith.addi %iota3A, %add3A_196 : vector<16xi32>
    %mul3A_198 = arith.constant 208 : i32
    %mul3A_199 = vector.broadcast %mul3A_198 : i32 to vector<16xi32>
    %mul3A_200 = arith.muli %add3A_197, %mul3A_199 : vector<16xi32>
    %add3A_201 = arith.addi %mul3A_200, %get3A_193 : vector<16xi32>
    %swap3A_202 = arith.constant 32 : index
    %swap3A_203 = tpu.vector_load %arg10[%swap3A_202] {strides = array<i32>} : memref<128xi32, #tpu.memory_space<vmem>>, vector<16xi32>,
    %swap3A_204 = vector.shape_cast %swap3A_203 : vector<16xi32> to vector<16xi32>
    %swap3A_205 = vector.shape_cast %add3A_201 : vector<16xi32> to vector<16xi32>
    tpu.vector_store %arg10[%swap3A_202], %swap3A_205 {strides = array<i32>} : memref<128xi32, #tpu.memory_space<vmem>>, vector<16xi32>,
    %add3A_206 = arith.constant 1 : i32
    %add3A_207 = vector.broadcast %add3A_206 : i32 to vector<16xi32>
    %add3A_208 = arith.addi %get3A_193, %add3A_207 : vector<16xi32>
    %swap3A_209 = arith.constant 32 : index
    %swap3A_210 = tpu.vector_load %arg13[%swap3A_209] {strides = array<i32>} : memref<128xi32, #tpu.memory_space<vmem>>, vector<16xi32>,
    %swap3A_211 = vector.shape_cast %swap3A_210 : vector<16xi32> to vector<16xi32>
    %swap3A_212 = vector.shape_cast %add3A_208 : vector<16xi32> to vector<16xi32>
    tpu.vector_store %arg13[%swap3A_209], %swap3A_212 {strides = array<i32>} : memref<128xi32, #tpu.memory_space<vmem>>, vector<16xi32>,
    %add3A_213 = arith.constant 32 : i32
    %add3A_214 = vector.broadcast %add3A_213 : i32 to vector<16xi32>
    %add3A_215 = arith.addi %iota3A, %add3A_214 : vector<16xi32>
    %and3A_216 = arith.constant 2047 : i32
    %and3A_217 = vector.broadcast %and3A_216 : i32 to vector<16xi32>
    %and3A_218 = arith.andi %add3A_215, %and3A_217 : vector<16xi32>
    %mul3A_219 = arith.constant 4 : i32
    %mul3A_220 = vector.broadcast %mul3A_219 : i32 to vector<16xi32>
    %mul3A_221 = arith.muli %and3A_218, %mul3A_220 : vector<16xi32>
    %add3A_222 = arith.constant 3 : i32
    %add3A_223 = vector.broadcast %add3A_222 : i32 to vector<16xi32>
    %add3A_224 = arith.addi %mul3A_221, %add3A_223 : vector<16xi32>
    %swap3A_225 = arith.constant 32 : index
    %swap3A_226 = tpu.vector_load %arg11[%swap3A_225] {strides = array<i32>} : memref<128xi32, #tpu.memory_space<vmem>>, vector<16xi32>,
    %swap3A_227 = vector.shape_cast %swap3A_226 : vector<16xi32> to vector<16xi32>
    %swap3A_228 = vector.shape_cast %add3A_224 : vector<16xi32> to vector<16xi32>
    tpu.vector_store %arg11[%swap3A_225], %swap3A_228 {strides = array<i32>} : memref<128xi32, #tpu.memory_space<vmem>>, vector<16xi32>,
    %get3A_229 = arith.constant 48 : index
    %get3A_230 = tpu.vector_load %arg9[%get3A_229] {strides = array<i32>} : memref<128xi32, #tpu.memory_space<vmem>>, vector<16xi32>,
    %get3A_231 = vector.shape_cast %get3A_230 : vector<16xi32> to vector<16xi32>
    %add3A_232 = arith.constant 48 : i32
    %add3A_233 = arith.addi %mul3A_117, %add3A_232 : i32
    %add3A_234 = vector.broadcast %add3A_233 : i32 to vector<16xi32>
    %add3A_235 = arith.addi %iota3A, %add3A_234 : vector<16xi32>
    %mul3A_236 = arith.constant 208 : i32
    %mul3A_237 = vector.broadcast %mul3A_236 : i32 to vector<16xi32>
    %mul3A_238 = arith.muli %add3A_235, %mul3A_237 : vector<16xi32>
    %add3A_239 = arith.addi %mul3A_238, %get3A_231 : vector<16xi32>
    %swap3A_240 = arith.constant 48 : index
    %swap3A_241 = tpu.vector_load %arg10[%swap3A_240] {strides = array<i32>} : memref<128xi32, #tpu.memory_space<vmem>>, vector<16xi32>,
    %swap3A_242 = vector.shape_cast %swap3A_241 : vector<16xi32> to vector<16xi32>
    %swap3A_243 = vector.shape_cast %add3A_239 : vector<16xi32> to vector<16xi32>
    tpu.vector_store %arg10[%swap3A_240], %swap3A_243 {strides = array<i32>} : memref<128xi32, #tpu.memory_space<vmem>>, vector<16xi32>,
    %add3A_244 = arith.constant 1 : i32
    %add3A_245 = vector.broadcast %add3A_244 : i32 to vector<16xi32>
    %add3A_246 = arith.addi %get3A_231, %add3A_245 : vector<16xi32>
    %swap3A_247 = arith.constant 48 : index
    %swap3A_248 = tpu.vector_load %arg13[%swap3A_247] {strides = array<i32>} : memref<128xi32, #tpu.memory_space<vmem>>, vector<16xi32>,
    %swap3A_249 = vector.shape_cast %swap3A_248 : vector<16xi32> to vector<16xi32>
    %swap3A_250 = vector.shape_cast %add3A_246 : vector<16xi32> to vector<16xi32>
    tpu.vector_store %arg13[%swap3A_247], %swap3A_250 {strides = array<i32>} : memref<128xi32, #tpu.memory_space<vmem>>, vector<16xi32>,
    %add3A_251 = arith.constant 48 : i32
    %add3A_252 = vector.broadcast %add3A_251 : i32 to vector<16xi32>
    %add3A_253 = arith.addi %iota3A, %add3A_252 : vector<16xi32>
    %and3A_254 = arith.constant 2047 : i32
    %and3A_255 = vector.broadcast %and3A_254 : i32 to vector<16xi32>
    %and3A_256 = arith.andi %add3A_253, %and3A_255 : vector<16xi32>
    %mul3A_257 = arith.constant 4 : i32
    %mul3A_258 = vector.broadcast %mul3A_257 : i32 to vector<16xi32>
    %mul3A_259 = arith.muli %and3A_256, %mul3A_258 : vector<16xi32>
    %add3A_260 = arith.constant 3 : i32
    %add3A_261 = vector.broadcast %add3A_260 : i32 to vector<16xi32>
    %add3A_262 = arith.addi %mul3A_259, %add3A_261 : vector<16xi32>
    %swap3A_263 = arith.constant 48 : index
    %swap3A_264 = tpu.vector_load %arg11[%swap3A_263] {strides = array<i32>} : memref<128xi32, #tpu.memory_space<vmem>>, vector<16xi32>,
    %swap3A_265 = vector.shape_cast %swap3A_264 : vector<16xi32> to vector<16xi32>
    %swap3A_266 = vector.shape_cast %add3A_262 : vector<16xi32> to vector<16xi32>
    tpu.vector_store %arg11[%swap3A_263], %swap3A_266 {strides = array<i32>} : memref<128xi32, #tpu.memory_space<vmem>>, vector<16xi32>,
    %get3A_267 = arith.constant 64 : index
    %get3A_268 = tpu.vector_load %arg9[%get3A_267] {strides = array<i32>} : memref<128xi32, #tpu.memory_space<vmem>>, vector<16xi32>,
    %get3A_269 = vector.shape_cast %get3A_268 : vector<16xi32> to vector<16xi32>
    %add3A_270 = arith.constant 64 : i32
    %add3A_271 = arith.addi %mul3A_117, %add3A_270 : i32
    %add3A_272 = vector.broadcast %add3A_271 : i32 to vector<16xi32>
    %add3A_273 = arith.addi %iota3A, %add3A_272 : vector<16xi32>
    %mul3A_274 = arith.constant 208 : i32
    %mul3A_275 = vector.broadcast %mul3A_274 : i32 to vector<16xi32>
    %mul3A_276 = arith.muli %add3A_273, %mul3A_275 : vector<16xi32>
    %add3A_277 = arith.addi %mul3A_276, %get3A_269 : vector<16xi32>
    %swap3A_278 = arith.constant 64 : index
    %swap3A_279 = tpu.vector_load %arg10[%swap3A_278] {strides = array<i32>} : memref<128xi32, #tpu.memory_space<vmem>>, vector<16xi32>,
    %swap3A_280 = vector.shape_cast %swap3A_279 : vector<16xi32> to vector<16xi32>
    %swap3A_281 = vector.shape_cast %add3A_277 : vector<16xi32> to vector<16xi32>
    tpu.vector_store %arg10[%swap3A_278], %swap3A_281 {strides = array<i32>} : memref<128xi32, #tpu.memory_space<vmem>>, vector<16xi32>,
    %add3A_282 = arith.constant 1 : i32
    %add3A_283 = vector.broadcast %add3A_282 : i32 to vector<16xi32>
    %add3A_284 = arith.addi %get3A_269, %add3A_283 : vector<16xi32>
    %swap3A_285 = arith.constant 64 : index
    %swap3A_286 = tpu.vector_load %arg13[%swap3A_285] {strides = array<i32>} : memref<128xi32, #tpu.memory_space<vmem>>, vector<16xi32>,
    %swap3A_287 = vector.shape_cast %swap3A_286 : vector<16xi32> to vector<16xi32>
    %swap3A_288 = vector.shape_cast %add3A_284 : vector<16xi32> to vector<16xi32>
    tpu.vector_store %arg13[%swap3A_285], %swap3A_288 {strides = array<i32>} : memref<128xi32, #tpu.memory_space<vmem>>, vector<16xi32>,
    %add3A_289 = arith.constant 64 : i32
    %add3A_290 = vector.broadcast %add3A_289 : i32 to vector<16xi32>
    %add3A_291 = arith.addi %iota3A, %add3A_290 : vector<16xi32>
    %and3A_292 = arith.constant 2047 : i32
    %and3A_293 = vector.broadcast %and3A_292 : i32 to vector<16xi32>
    %and3A_294 = arith.andi %add3A_291, %and3A_293 : vector<16xi32>
    %mul3A_295 = arith.constant 4 : i32
    %mul3A_296 = vector.broadcast %mul3A_295 : i32 to vector<16xi32>
    %mul3A_297 = arith.muli %and3A_294, %mul3A_296 : vector<16xi32>
    %add3A_298 = arith.constant 3 : i32
    %add3A_299 = vector.broadcast %add3A_298 : i32 to vector<16xi32>
    %add3A_300 = arith.addi %mul3A_297, %add3A_299 : vector<16xi32>
    %swap3A_301 = arith.constant 64 : index
    %swap3A_302 = tpu.vector_load %arg11[%swap3A_301] {strides = array<i32>} : memref<128xi32, #tpu.memory_space<vmem>>, vector<16xi32>,
    %swap3A_303 = vector.shape_cast %swap3A_302 : vector<16xi32> to vector<16xi32>
    %swap3A_304 = vector.shape_cast %add3A_300 : vector<16xi32> to vector<16xi32>
    tpu.vector_store %arg11[%swap3A_301], %swap3A_304 {strides = array<i32>} : memref<128xi32, #tpu.memory_space<vmem>>, vector<16xi32>,
    %get3A_305 = arith.constant 80 : index
    %get3A_306 = tpu.vector_load %arg9[%get3A_305] {strides = array<i32>} : memref<128xi32, #tpu.memory_space<vmem>>, vector<16xi32>,
    %get3A_307 = vector.shape_cast %get3A_306 : vector<16xi32> to vector<16xi32>
    %add3A_308 = arith.constant 80 : i32
    %add3A_309 = arith.addi %mul3A_117, %add3A_308 : i32
    %add3A_310 = vector.broadcast %add3A_309 : i32 to vector<16xi32>
    %add3A_311 = arith.addi %iota3A, %add3A_310 : vector<16xi32>
    %mul3A_312 = arith.constant 208 : i32
    %mul3A_313 = vector.broadcast %mul3A_312 : i32 to vector<16xi32>
    %mul3A_314 = arith.muli %add3A_311, %mul3A_313 : vector<16xi32>
    %add3A_315 = arith.addi %mul3A_314, %get3A_307 : vector<16xi32>
    %swap3A_316 = arith.constant 80 : index
    %swap3A_317 = tpu.vector_load %arg10[%swap3A_316] {strides = array<i32>} : memref<128xi32, #tpu.memory_space<vmem>>, vector<16xi32>,
    %swap3A_318 = vector.shape_cast %swap3A_317 : vector<16xi32> to vector<16xi32>
    %swap3A_319 = vector.shape_cast %add3A_315 : vector<16xi32> to vector<16xi32>
    tpu.vector_store %arg10[%swap3A_316], %swap3A_319 {strides = array<i32>} : memref<128xi32, #tpu.memory_space<vmem>>, vector<16xi32>,
    %add3A_320 = arith.constant 1 : i32
    %add3A_321 = vector.broadcast %add3A_320 : i32 to vector<16xi32>
    %add3A_322 = arith.addi %get3A_307, %add3A_321 : vector<16xi32>
    %swap3A_323 = arith.constant 80 : index
    %swap3A_324 = tpu.vector_load %arg13[%swap3A_323] {strides = array<i32>} : memref<128xi32, #tpu.memory_space<vmem>>, vector<16xi32>,
    %swap3A_325 = vector.shape_cast %swap3A_324 : vector<16xi32> to vector<16xi32>
    %swap3A_326 = vector.shape_cast %add3A_322 : vector<16xi32> to vector<16xi32>
    tpu.vector_store %arg13[%swap3A_323], %swap3A_326 {strides = array<i32>} : memref<128xi32, #tpu.memory_space<vmem>>, vector<16xi32>,
    %add3A_327 = arith.constant 80 : i32
    %add3A_328 = vector.broadcast %add3A_327 : i32 to vector<16xi32>
    %add3A_329 = arith.addi %iota3A, %add3A_328 : vector<16xi32>
    %and3A_330 = arith.constant 2047 : i32
    %and3A_331 = vector.broadcast %and3A_330 : i32 to vector<16xi32>
    %and3A_332 = arith.andi %add3A_329, %and3A_331 : vector<16xi32>
    %mul3A_333 = arith.constant 4 : i32
    %mul3A_334 = vector.broadcast %mul3A_333 : i32 to vector<16xi32>
    %mul3A_335 = arith.muli %and3A_332, %mul3A_334 : vector<16xi32>
    %add3A_336 = arith.constant 3 : i32
    %add3A_337 = vector.broadcast %add3A_336 : i32 to vector<16xi32>
    %add3A_338 = arith.addi %mul3A_335, %add3A_337 : vector<16xi32>
    %swap3A_339 = arith.constant 80 : index
    %swap3A_340 = tpu.vector_load %arg11[%swap3A_339] {strides = array<i32>} : memref<128xi32, #tpu.memory_space<vmem>>, vector<16xi32>,
    %swap3A_341 = vector.shape_cast %swap3A_340 : vector<16xi32> to vector<16xi32>
    %swap3A_342 = vector.shape_cast %add3A_338 : vector<16xi32> to vector<16xi32>
    tpu.vector_store %arg11[%swap3A_339], %swap3A_342 {strides = array<i32>} : memref<128xi32, #tpu.memory_space<vmem>>, vector<16xi32>,
    %get3A_343 = arith.constant 96 : index
    %get3A_344 = tpu.vector_load %arg9[%get3A_343] {strides = array<i32>} : memref<128xi32, #tpu.memory_space<vmem>>, vector<16xi32>,
    %get3A_345 = vector.shape_cast %get3A_344 : vector<16xi32> to vector<16xi32>
    %add3A_346 = arith.constant 96 : i32
    %add3A_347 = arith.addi %mul3A_117, %add3A_346 : i32
    %add3A_348 = vector.broadcast %add3A_347 : i32 to vector<16xi32>
    %add3A_349 = arith.addi %iota3A, %add3A_348 : vector<16xi32>
    %mul3A_350 = arith.constant 208 : i32
    %mul3A_351 = vector.broadcast %mul3A_350 : i32 to vector<16xi32>
    %mul3A_352 = arith.muli %add3A_349, %mul3A_351 : vector<16xi32>
    %add3A_353 = arith.addi %mul3A_352, %get3A_345 : vector<16xi32>
    %swap3A_354 = arith.constant 96 : index
    %swap3A_355 = tpu.vector_load %arg10[%swap3A_354] {strides = array<i32>} : memref<128xi32, #tpu.memory_space<vmem>>, vector<16xi32>,
    %swap3A_356 = vector.shape_cast %swap3A_355 : vector<16xi32> to vector<16xi32>
    %swap3A_357 = vector.shape_cast %add3A_353 : vector<16xi32> to vector<16xi32>
    tpu.vector_store %arg10[%swap3A_354], %swap3A_357 {strides = array<i32>} : memref<128xi32, #tpu.memory_space<vmem>>, vector<16xi32>,
    %add3A_358 = arith.constant 1 : i32
    %add3A_359 = vector.broadcast %add3A_358 : i32 to vector<16xi32>
    %add3A_360 = arith.addi %get3A_345, %add3A_359 : vector<16xi32>
    %swap3A_361 = arith.constant 96 : index
    %swap3A_362 = tpu.vector_load %arg13[%swap3A_361] {strides = array<i32>} : memref<128xi32, #tpu.memory_space<vmem>>, vector<16xi32>,
    %swap3A_363 = vector.shape_cast %swap3A_362 : vector<16xi32> to vector<16xi32>
    %swap3A_364 = vector.shape_cast %add3A_360 : vector<16xi32> to vector<16xi32>
    tpu.vector_store %arg13[%swap3A_361], %swap3A_364 {strides = array<i32>} : memref<128xi32, #tpu.memory_space<vmem>>, vector<16xi32>,
    %add3A_365 = arith.constant 96 : i32
    %add3A_366 = vector.broadcast %add3A_365 : i32 to vector<16xi32>
    %add3A_367 = arith.addi %iota3A, %add3A_366 : vector<16xi32>
    %and3A_368 = arith.constant 2047 : i32
    %and3A_369 = vector.broadcast %and3A_368 : i32 to vector<16xi32>
    %and3A_370 = arith.andi %add3A_367, %and3A_369 : vector<16xi32>
    %mul3A_371 = arith.constant 4 : i32
    %mul3A_372 = vector.broadcast %mul3A_371 : i32 to vector<16xi32>
    %mul3A_373 = arith.muli %and3A_370, %mul3A_372 : vector<16xi32>
    %add3A_374 = arith.constant 3 : i32
    %add3A_375 = vector.broadcast %add3A_374 : i32 to vector<16xi32>
    %add3A_376 = arith.addi %mul3A_373, %add3A_375 : vector<16xi32>
    %swap3A_377 = arith.constant 96 : index
    %swap3A_378 = tpu.vector_load %arg11[%swap3A_377] {strides = array<i32>} : memref<128xi32, #tpu.memory_space<vmem>>, vector<16xi32>,
    %swap3A_379 = vector.shape_cast %swap3A_378 : vector<16xi32> to vector<16xi32>
    %swap3A_380 = vector.shape_cast %add3A_376 : vector<16xi32> to vector<16xi32>
    tpu.vector_store %arg11[%swap3A_377], %swap3A_380 {strides = array<i32>} : memref<128xi32, #tpu.memory_space<vmem>>, vector<16xi32>,
    %get3A_381 = arith.constant 112 : index
    %get3A_382 = tpu.vector_load %arg9[%get3A_381] {strides = array<i32>} : memref<128xi32, #tpu.memory_space<vmem>>, vector<16xi32>,
    %get3A_383 = vector.shape_cast %get3A_382 : vector<16xi32> to vector<16xi32>
    %add3A_384 = arith.constant 112 : i32
    %add3A_385 = arith.addi %mul3A_117, %add3A_384 : i32
    %add3A_386 = vector.broadcast %add3A_385 : i32 to vector<16xi32>
    %add3A_387 = arith.addi %iota3A, %add3A_386 : vector<16xi32>
    %mul3A_388 = arith.constant 208 : i32
    %mul3A_389 = vector.broadcast %mul3A_388 : i32 to vector<16xi32>
    %mul3A_390 = arith.muli %add3A_387, %mul3A_389 : vector<16xi32>
    %add3A_391 = arith.addi %mul3A_390, %get3A_383 : vector<16xi32>
    %swap3A_392 = arith.constant 112 : index
    %swap3A_393 = tpu.vector_load %arg10[%swap3A_392] {strides = array<i32>} : memref<128xi32, #tpu.memory_space<vmem>>, vector<16xi32>,
    %swap3A_394 = vector.shape_cast %swap3A_393 : vector<16xi32> to vector<16xi32>
    %swap3A_395 = vector.shape_cast %add3A_391 : vector<16xi32> to vector<16xi32>
    tpu.vector_store %arg10[%swap3A_392], %swap3A_395 {strides = array<i32>} : memref<128xi32, #tpu.memory_space<vmem>>, vector<16xi32>,
    %add3A_396 = arith.constant 1 : i32
    %add3A_397 = vector.broadcast %add3A_396 : i32 to vector<16xi32>
    %add3A_398 = arith.addi %get3A_383, %add3A_397 : vector<16xi32>
    %swap3A_399 = arith.constant 112 : index
    %swap3A_400 = tpu.vector_load %arg13[%swap3A_399] {strides = array<i32>} : memref<128xi32, #tpu.memory_space<vmem>>, vector<16xi32>,
    %swap3A_401 = vector.shape_cast %swap3A_400 : vector<16xi32> to vector<16xi32>
    %swap3A_402 = vector.shape_cast %add3A_398 : vector<16xi32> to vector<16xi32>
    tpu.vector_store %arg13[%swap3A_399], %swap3A_402 {strides = array<i32>} : memref<128xi32, #tpu.memory_space<vmem>>, vector<16xi32>,
    %add3A_403 = arith.constant 112 : i32
    %add3A_404 = vector.broadcast %add3A_403 : i32 to vector<16xi32>
    %add3A_405 = arith.addi %iota3A, %add3A_404 : vector<16xi32>
    %and3A_406 = arith.constant 2047 : i32
    %and3A_407 = vector.broadcast %and3A_406 : i32 to vector<16xi32>
    %and3A_408 = arith.andi %add3A_405, %and3A_407 : vector<16xi32>
    %mul3A_409 = arith.constant 4 : i32
    %mul3A_410 = vector.broadcast %mul3A_409 : i32 to vector<16xi32>
    %mul3A_411 = arith.muli %and3A_408, %mul3A_410 : vector<16xi32>
    %add3A_412 = arith.constant 3 : i32
    %add3A_413 = vector.broadcast %add3A_412 : i32 to vector<16xi32>
    %add3A_414 = arith.addi %mul3A_411, %add3A_413 : vector<16xi32>
    %swap3A_415 = arith.constant 112 : index
    %swap3A_416 = tpu.vector_load %arg11[%swap3A_415] {strides = array<i32>} : memref<128xi32, #tpu.memory_space<vmem>>, vector<16xi32>,
    %swap3A_417 = vector.shape_cast %swap3A_416 : vector<16xi32> to vector<16xi32>
    %swap3A_418 = vector.shape_cast %add3A_414 : vector<16xi32> to vector<16xi32>
    tpu.vector_store %arg11[%swap3A_415], %swap3A_418 {strides = array<i32>} : memref<128xi32, #tpu.memory_space<vmem>>, vector<16xi32>,
    "tpu.region"() ({
      %run_scoped3A = tpu.sem_alloc : memref<!tpu.dma_semaphore, #tpu.memory_space<semaphore_mem>>
      %dma_start3A_443 = tpu.memref_slice %arg6[%mul3A_117] : memref<4096xi32, #tpu.memory_space<hbm>> -> memref<128xi32, #tpu.memory_space<hbm>>
      %dma_start3A_444 = tpu.memref_slice %arg6[%mul3A_117] : memref<4096xi32, #tpu.memory_space<hbm>> -> memref<128xi32, #tpu.memory_space<hbm>>
      tpu.enqueue_dma source(%arg13 : memref<128xi32, #tpu.memory_space<vmem>>) target(%dma_start3A_444 : memref<128xi32, #tpu.memory_space<hbm>>) target_semaphore(%run_scoped3A : memref<!tpu.dma_semaphore, #tpu.memory_space<semaphore_mem>>)
      %dma_wait3A_445 = tpu.memref_slice %arg6[%mul3A_117] : memref<4096xi32, #tpu.memory_space<hbm>> -> memref<128xi32, #tpu.memory_space<hbm>>
      %dma_wait3A_446 = tpu.memref_slice %arg6[%mul3A_117] : memref<4096xi32, #tpu.memory_space<hbm>> -> memref<128xi32, #tpu.memory_space<hbm>>
      tpu.wait_dma2 semaphore(%run_scoped3A : memref<!tpu.dma_semaphore, #tpu.memory_space<semaphore_mem>>) src(%arg13 : memref<128xi32, #tpu.memory_space<vmem>>) dst(%dma_wait3A_446 : memref<128xi32, #tpu.memory_space<hbm>>)
      tpu.yield
    }) : () -> ()
    %dma_start3A_419 = arith.constant 0 : i32
    %dma_start3A_420 = arith.constant 0 : i32
    %dma_start3A_421 = arith.constant 0 : i32
    %dma_start3A_422 = tpu.memref_slice %arg4[%dma_start3A_420, %dma_start3A_421] : memref<8192x128xf32, #tpu.memory_space<hbm>> -> memref<8192x128xf32, #tpu.memory_space<hbm>>
    %dma_start3A_423 = tpu.memref_slice %arg14[%dma_start3A_419] : memref<4x!tpu.dma_semaphore, #tpu.memory_space<semaphore_mem>> -> memref<1x!tpu.dma_semaphore, #tpu.memory_space<semaphore_mem>>
    %dma_start3A_424 = tpu.memref_squeeze %dma_start3A_423 : memref<1x!tpu.dma_semaphore, #tpu.memory_space<semaphore_mem>> -> memref<!tpu.dma_semaphore, #tpu.memory_space<semaphore_mem>>
    tpu.enqueue_indirect_dma source(%dma_start3A_422 : memref<8192x128xf32, #tpu.memory_space<hbm>>) target(%arg12 : memref<128x128xf32, #tpu.memory_space<vmem>>) offsets(%arg11 : memref<128xi32, #tpu.memory_space<vmem>>) semaphore(%dma_start3A_424 : memref<!tpu.dma_semaphore, #tpu.memory_space<semaphore_mem>>)
    %dma_wait3A_425 = arith.constant 0 : i32
    %dma_wait3A_426 = arith.constant 0 : i32
    %dma_wait3A_427 = arith.constant 0 : i32
    %dma_wait3A_428 = tpu.memref_slice %arg4[%dma_wait3A_426, %dma_wait3A_427] : memref<8192x128xf32, #tpu.memory_space<hbm>> -> memref<8192x128xf32, #tpu.memory_space<hbm>>
    %dma_wait3A_429 = tpu.memref_slice %arg14[%dma_wait3A_425] : memref<4x!tpu.dma_semaphore, #tpu.memory_space<semaphore_mem>> -> memref<1x!tpu.dma_semaphore, #tpu.memory_space<semaphore_mem>>
    %dma_wait3A_430 = tpu.memref_squeeze %dma_wait3A_429 : memref<1x!tpu.dma_semaphore, #tpu.memory_space<semaphore_mem>> -> memref<!tpu.dma_semaphore, #tpu.memory_space<semaphore_mem>>
    tpu.wait_indirect_dma semaphore(%dma_wait3A_430 : memref<!tpu.dma_semaphore, #tpu.memory_space<semaphore_mem>>) src(%dma_wait3A_428 : memref<8192x128xf32, #tpu.memory_space<hbm>>) dst(%arg12 : memref<128x128xf32, #tpu.memory_space<vmem>>)
    %dma_start3A_431 = arith.constant 0 : i32
    %dma_start3A_432 = arith.constant 0 : i32
    %dma_start3A_433 = arith.constant 0 : i32
    %dma_start3A_434 = tpu.memref_slice %arg5[%dma_start3A_432, %dma_start3A_433] : memref<851968x128xf32, #tpu.memory_space<hbm>> -> memref<851968x128xf32, #tpu.memory_space<hbm>>
    %dma_start3A_435 = tpu.memref_slice %arg14[%dma_start3A_431] : memref<4x!tpu.dma_semaphore, #tpu.memory_space<semaphore_mem>> -> memref<1x!tpu.dma_semaphore, #tpu.memory_space<semaphore_mem>>
    %dma_start3A_436 = tpu.memref_squeeze %dma_start3A_435 : memref<1x!tpu.dma_semaphore, #tpu.memory_space<semaphore_mem>> -> memref<!tpu.dma_semaphore, #tpu.memory_space<semaphore_mem>>
    tpu.enqueue_indirect_dma source(%arg12 : memref<128x128xf32, #tpu.memory_space<vmem>>) target(%dma_start3A_434 : memref<851968x128xf32, #tpu.memory_space<hbm>>) offsets(%arg10 : memref<128xi32, #tpu.memory_space<vmem>>) semaphore(%dma_start3A_436 : memref<!tpu.dma_semaphore, #tpu.memory_space<semaphore_mem>>)
    %dma_wait3A_437 = arith.constant 0 : i32
    %dma_wait3A_438 = arith.constant 0 : i32
    %dma_wait3A_439 = arith.constant 0 : i32
    %dma_wait3A_440 = tpu.memref_slice %arg5[%dma_wait3A_438, %dma_wait3A_439] : memref<851968x128xf32, #tpu.memory_space<hbm>> -> memref<851968x128xf32, #tpu.memory_space<hbm>>
    %dma_wait3A_441 = tpu.memref_slice %arg14[%dma_wait3A_437] : memref<4x!tpu.dma_semaphore, #tpu.memory_space<semaphore_mem>> -> memref<1x!tpu.dma_semaphore, #tpu.memory_space<semaphore_mem>>
    %dma_wait3A_442 = tpu.memref_squeeze %dma_wait3A_441 : memref<1x!tpu.dma_semaphore, #tpu.memory_space<semaphore_mem>> -> memref<!tpu.dma_semaphore, #tpu.memory_space<semaphore_mem>>
    tpu.wait_indirect_dma semaphore(%dma_wait3A_442 : memref<!tpu.dma_semaphore, #tpu.memory_space<semaphore_mem>>) src(%arg12 : memref<128x128xf32, #tpu.memory_space<vmem>>) dst(%dma_wait3A_440 : memref<851968x128xf32, #tpu.memory_space<hbm>>)
    return
  }
}

</mosaic_0001>

<sc_bundles>
// kernel: kernel.3.cloned.1.call-start
scs
__scs_entry_jumppad:
0x0: {  	(pc) =	sbr.rel $0x88, $3  }
0x1: {  	(tag) =	ssettag $0x0;
	lr =	simm.s32 $0x1  }
0x2: {  	[smem:$0x3F9D] =	sst lr;
	_ =	strace $0xD0000000  }
0x3: {  	_ = 	snop  }
0x4: {  	_ = 	snop  }
0x5: {  	_ = 	snop  }
0x6: {  	_ = 	snop  }
0x7: {  	_ = 	snop  }
__scs_overlays_trampoline_lowered:
0x8: {  	[smem:$0x3FAC] =	sst s0  }
0x9: {  	[smem:$0x3FAD] =	sst s1  }
0xa: {  	[smem:$0x3FAE] =	sst s2  }
0xb: {  	[smem:$0x3FAF] =	sst s3  }
0xc: {  	[smem:$0x3FB0] =	sst s4  }
0xd: {  	[smem:$0x3FB1] =	sst s5  }
0xe: {  	[smem:$0x3FB2] =	sst s6  }
0xf: {  	[smem:$0x3FB3] =	sst s7  }
0x10: {  	[smem:$0x3FB4] =	sst s8  }
0x11: {  	[smem:$0x3FB5] =	sst s9;
	s0 =	simm.s32 @!p0 $0x0  }
0x12: {  	s1 =	sld [smem:$0x3F9B];
	s0 =	simm.s32 @p0 $0x1  }
0x13: {  	[smem:$0x3FB6] =	sst s0;
	s0 =	simm.s32 @!p1 $0x0  }
0x14: {  	s2 =	sld [smem:$0x3F9A];
	s0 =	simm.s32 @p1 $0x1  }
0x15: {  	[smem:$0x3FB7] =	sst s0;
	s0 =	simm.s32 @!p2 $0x0  }
0x16: {  	s3 =	sld [smem:$0x3FDB];
	s0 =	simm.s32 @p2 $0x1  }
0x17: {  	s4 =	simm.s32 $0x1BF5;
	[smem:$0x3FB9] =	sst s0  }
0x18: {  	s0 =	sld [smem:$0x3F9C];
	_ =	swait.ge [sflag:s4], $0x0  }
0x19: {  	s7 =	sld [smem:$0x3F9D]  }
0x1a: {  	s8 =	sadd.s32 $0xFFFFE003, lr  }
0x1b: {  	s9 =	sadd.s32 $0xFFFFFEF7, lr;
	s5 =	simm.s32 $0xFFFFFFFF;
	p2 =	slt.u32 s8, $0xFFFFF086  }
0x1c: {  	p1 =	slt.u32 s9, $0xF7A;
	s5 =	simm.s32 @!p2 $0x0  }
0x1d: {  	s5 =	simm.s32 @p1 $0x1;
	p0 =	seq.s32 s7, s2  }
0x1e: {  	s7 =	smul.u32 @!p0 $0xF7A, s2;
	p2 =	seq.s32 @!p0 s5, $0x0  }
0x1f: {  	s9 =	smul.u32 $0xF7A, s1;
	s8 =	simm.s32 @!p0 $0x1BF5;
	p2 =	por !p2, p0  }
0x20: {  	[sflag:s8] =	ssyncset.s32 @!p0 $0xFFFFF086;
	s6 =	sadd.s32 @!p0 s3, s7;
	s7 =	simm.s32 @!p0 $0x108  }
0x21: {  	s3 =	sadd.s32 s3, s9;
	s6 =	sadd.s32 @!p0 $0x88, s6;
	s7 =	simm.s32 @p2 $0x1082  }
0x22: {  	[simem:s7], [sflag:s8] =	dma.local @!p0 [hbm:s6], $0xF7A  }
0x23: {  	s9 =	sor.u32 $0xD0000000, s2;
	s6 =	simm.s32 $0x108;
	_ =	swait.ge @!p0 [sflag:s8], $0x0  }
0x24: {  	s3 =	sadd.s32 $0x88, s3;
	s6 =	simm.s32 @!p1 $0x1082;
	[sflag:s4] =	ssyncset.s32 $0xFFFFF086  }
0x25: {  	[simem:s6], [sflag:s4] =	dma.local [hbm:s3], $0xF7A  }
0x26: {  	[smem:$0x3F9D] =	sst s1;
	(tag) =	ssettag s2;
	_ =	strace s9  }
0x27: {  	s1 =	sld [smem:$0x3FAD]  }
0x28: {  	s2 =	sld [smem:$0x3FAE]  }
0x29: {  	s4 =	sld [smem:$0x3FB0]  }
0x2a: {  	p0 =	seq.s32 s5, $0x0;
	s5 =	sld [smem:$0x3FB1]  }
0x2b: {  	s6 =	sld [smem:$0x3FB2]  }
0x2c: {  	s7 =	sld [smem:$0x3FB3]  }
0x2d: {  	s3 =	simm.s32 $0x108;
	s8 =	sld [smem:$0x3FB4]  }
0x2e: {  	s3 =	simm.s32 @!p0 $0x1082;
	s9 =	sld [smem:$0x3FB5]  }
0x2f: {  	lr =	sadd.s32 s0, s3;
	s0 =	sld [smem:$0x3FAC]  }
0x30: {  	s3 =	sld [smem:$0x3FAF]  }
0x31: {  	[smem:$0x3FB8] =	sst s10  }
0x32: {  	s10 =	sld [smem:$0x3FB6];
	_ =	sdelay $0x3  }
0x33: {  	p0 =	seq.s32 s10, $0x1;
	s10 =	sld [smem:$0x3FB8];
	_ =	sdelay $0x3  }
0x34: {  	[smem:$0x3FB8] =	sst s10  }
0x35: {  	s10 =	sld [smem:$0x3FB7];
	_ =	sdelay $0x3  }
0x36: {  	p1 =	seq.s32 s10, $0x1;
	s10 =	sld [smem:$0x3FB8];
	_ =	sdelay $0x3  }
0x37: {  	[smem:$0x3FB8] =	sst s10  }
0x38: {  	s10 =	sld [smem:$0x3FB9]  }
0x39: {  	_ = 	snop;
	(pc) =	sbr.ind lr, $3  }
0x3a: {  	_ = 	snop  }
0x3b: {  	_ = 	snop  }
0x3c: {  	p2 =	seq.s32 s10, $0x1;
	s10 =	sld [smem:$0x3FB8]  }
0x3d: {  	_ =	shalt  }
0x3e: {  	_ =	shalt  }
0x3f: {  	_ =	shalt  }
0x40: {  	_ =	shalt  }
0x41: {  	_ =	shalt  }
0x42: {  	_ =	shalt  }
0x43: {  	_ =	shalt  }
0x44: {  	_ =	shalt  }
0x45: {  	_ =	shalt  }
0x46: {  	_ =	shalt  }
0x47: {  	_ =	shalt  }
0x48: {  	_ =	shalt  }
0x49: {  	_ =	shalt  }
0x4a: {  	_ =	shalt  }
0x4b: {  	_ =	shalt  }
0x4c: {  	_ =	shalt  }
0x4d: {  	_ =	shalt  }
0x4e: {  	_ =	shalt  }
0x4f: {  	_ =	shalt  }
0x50: {  	_ =	shalt  }
0x51: {  	_ =	shalt  }
0x52: {  	_ =	shalt  }
0x53: {  	_ =	shalt  }
0x54: {  	_ =	shalt  }
0x55: {  	_ =	shalt  }
0x56: {  	_ =	shalt  }
0x57: {  	_ =	shalt  }
0x58: {  	_ =	shalt  }
0x59: {  	_ =	shalt  }
0x5a: {  	_ =	shalt  }
0x5b: {  	_ =	shalt  }
0x5c: {  	_ =	shalt  }
0x5d: {  	_ =	shalt  }
0x5e: {  	_ =	shalt  }
0x5f: {  	_ =	shalt  }
0x60: {  	_ =	shalt  }
0x61: {  	_ =	shalt  }
0x62: {  	_ =	shalt  }
0x63: {  	_ =	shalt  }
0x64: {  	_ =	shalt  }
0x65: {  	_ =	shalt  }
0x66: {  	_ =	shalt  }
0x67: {  	_ =	shalt  }
0x68: {  	_ =	shalt  }
0x69: {  	_ =	shalt  }
0x6a: {  	_ =	shalt  }
0x6b: {  	_ =	shalt  }
0x6c: {  	_ =	shalt  }
0x6d: {  	_ =	shalt  }
0x6e: {  	_ =	shalt  }
0x6f: {  	_ =	shalt  }
0x70: {  	_ =	shalt  }
0x71: {  	_ =	shalt  }
0x72: {  	_ =	shalt  }
0x73: {  	_ =	shalt  }
0x74: {  	_ =	shalt  }
0x75: {  	_ =	shalt  }
0x76: {  	_ =	shalt  }
0x77: {  	_ =	shalt  }
0x78: {  	_ =	shalt  }
0x79: {  	_ =	shalt  }
0x7a: {  	_ =	shalt  }
0x7b: {  	_ =	shalt  }
0x7c: {  	_ =	shalt  }
0x7d: {  	_ =	shalt  }
0x7e: {  	_ =	shalt  }
0x7f: {  	_ =	shalt  }
0x80: {  	_ =	shalt  }
0x81: {  	_ =	shalt  }
0x82: {  	_ =	shalt  }
0x83: {  	_ =	shalt  }
0x84: {  	_ =	shalt  }
0x85: {  	_ =	shalt  }
0x86: {  	_ =	shalt  }
0x87: {  	_ =	shalt  }
.Lfunc_end0:
.L_simem_size_0:
called_computation.1_lowered:
.L_overlay_start_0:
0x88: {  	s2 =	sld [smem:$0x3FD9]  }
0x89: {  	s3 =	sld [smem:$0x3FFE];
	_ =	sdelay $0x1  }
0x8a: {  	s1 =	srdreg.scid  }
0x8b: {  	s0 =	sand.u32 $0x1, s1  }
0x8c: {  	s14 =	sshll.u32 s0, $0xA;
	s2 =	sadd.s32 s3, s2  }
0x8d: {  	s2 =	sadd.s32 s2, s14  }
0x8e: {  	[smem:$0x3FC4] =	sst s2  }
0x8f: {  	_ = 	snop  }
0x90: {  	s2 =	sld [smem:$0x3FD0];
	_ =	sdelay $0x2  }
0x91: {  	s4 =	simm.s32 $0xA;
	s5 =	simm.s32 $0x10;
	s15 =	sld [smem:$0x3FC8]  }
0x92: {  	[smem:s5], [sflag:s4] =	dma.local [hbm:s2], $0x1  }
0x93: {  	_ =	swait.eq [sflag:s4], $0x1  }
0x94: {  	[sflag:s4] =	ssyncset.done $0x0  }
0x95: {  	s16 =	sld [smem:$0x10];
	[sflag:s4] =	ssyncadd.s32 $0xFFFFFFFF  }
0x96: {  	s17 =	sld [smem:$0x11];
	(tm) =	ssettm $0x1  }
0x97: {  	s18 =	sld [smem:$0x3FFB];
	_ =	sdelay $0x3  }
0x98: {  	_ =	strace s18  }
0x99: {  	s5 =	sld [smem:$0x3FFC];
	_ =	sdelay $0x3  }
0x9a: {  	_ =	strace s5  }
0x9b: {  	s5 =	sld [smem:$0x3FFD];
	_ =	sdelay $0x3  }
0x9c: {  	_ =	strace s5  }
0x9d: {  	_ =	strace $0x8FFFFFFF  }
0x9e: {  	s19 =	sld [smem:$0x3FDB];
	_ =	sdelay $0x1  }
0x9f: {  	s6 =	simm.s32 $_scs_section_size  }
0xa0: {  	s7 =	simm.s32 $_size__tile_overlayer_lowered;
	s8 =	simm.s32 $_tile_overlayer_lowered  }
0xa1: {  	s22 =	simm.s32 $0x1BFF;
	s21 =	sshll.u32 s8, $0x1;
	s5 =	sadd.s32 s6, s19  }
0xa2: {  	s9 =	simm.s32 $0x0;
	s20 =	sshll.u32 s7, $0x1;
	s7 =	sadd.s32 s21, s5  }
0xa3: {  	[timem:s9], [sflag:s22] =	dma.local [hbm:s7], s20  }
0xa4: {  	_ =	swait.ge [sflag:s22], s20  }
0xa5: {  	s6 =	ssub.s32 $0x0, s20;
	[sflag:s22] =	ssyncset.done $0x0  }
0xa6: {  	[sflag:s22] =	ssyncadd.s32 s6;
	_ =	sdelay $0x1  }
0xa7: {  	s23 =	simm.s32 $0x1B8B  }
0xa8: {  	_ =	swait.ge [sflag:s23], $0x1  }
0xa9: {  	[sflag:s23] =	ssyncset.done $0x0  }
0xaa: {  	s25 =	simm.s32 $0x1B8E;
	s24 =	sld [smem:$0x3FFE];
	[sflag:s23] =	ssyncadd.s32 $0xFFFFFFFF  }
0xab: {  	s26 =	simm.s32 $execute0_lowered;
	[smem:$0x3FD2] =	sst s25  }
0xac: {  	s7 =	sshll.u32 s26, $0x1;
	_ =	strace $0x80000046;
	[dreg:$0x1] =	wrdreg $0xFFFFFFFF  }
0xad: {  	s28 =	simm.s32 $_size_execute0_lowered;
	s5 =	sadd.s32 s5, s7;
	[dreg:$0x0] =	wrdreg $0x0  }
0xae: {  	s7 =	sshll.u32 s28, $0x1;
	[dreg:$0x2] =	wrdreg s5  }
0xaf: {  	[dreg:$0x3] =	wrdreg s7  }
0xb0: {  	[dreg:$0x4] =	wrdreg $0xC0  }
0xb1: {  	_ =	task [dreg:s9], $0x5FFFF  }
0xb2: {  	[dreg:$0x1] =	wrdreg $0xFFFFFFFF  }
0xb3: {  	[dreg:$0x0] =	wrdreg $0x60  }
0xb4: {  	[dreg:$0x2] =	wrdreg s24  }
0xb5: {  	[dreg:$0x3] =	wrdreg s15  }
0xb6: {  	[dreg:$0x4] =	wrdreg s16  }
0xb7: {  	[dreg:$0x5] =	wrdreg s17  }
0xb8: {  	[dreg:$0x6] =	wrdreg $0x9  }
0xb9: {  	_ =	task.clear_ibuf [dreg:s9], $0x7FFFF;
	_ =	strace $0x90000046  }
0xba: {  	s29 =	simm.s32 $0x9;
	_ =	strace $0x80000048  }
0xbb: {  	_ =	swait.ge [sflag:s29], $0x1  }
0xbc: {  	[sflag:s29] =	ssyncadd.s32 $0xFFFFFFFF  }
0xbd: {  	_ =	strace $0x90000048  }
0xbe: {  	_ =	sfence  }
0xbf: {  	s30 =	sld [smem:$0x0];
	_ =	sdelay $0x2  }
0xc0: {  	s31 =	sshll.u32 s1, $0xD;
	s1 =	sshrl.u32 s1, $0x2  }
0xc1: {  	s3 =	sand.u32 $0x4000, s31;
	s1 =	sadd.s32 s1, s30  }
0xc2: {  	s0 =	sor.u32 s3, s0;
	s1 =	sshll.u32 s1, $0x11  }
0xc3: {  	s0 =	sor.u32 s1, s0  }
0xc4: {  	s0 =	sadd.s32 $0x8F2B, s0  }
0xc5: {  	[sflag:s0] =	ssyncadd.remote.s32 $0x1  }
0xc6: {  	_ =	sfence.sel $0xFFFF  }
0xc7: {  	[dreg:$0x0] =	wrdreg $0xFFFFFFFF;
	(pc) =	sbr.abs _section_cstart, $3  }
0xc8: {  	[dreg:$0x1] =	wrdreg $0xFFFFFFFF  }
0xc9: {  	_ =	task.clear_ibuf [dreg:s9], $0x2FFFF;
	_ =	strace $0x9FFFFFFF  }
0xca: {  	(tm) =	ssettm $0x7FFFFFFF  }
0xcb: {  	_ =	shalt  }
tec
execute0_lowered:
.L_overlay_start_1:
0x0: {  	(tag) =	ssettag $0x1  }
0x1: {  	s0 =	rddreg [dreg:$0x0]  }
0x2: {  	s1 =	rddreg [dreg:$0x1]  }
0x3: {  	s2 =	rddreg [dreg:$0x2];
	s3 =	srdreg.scid  }
0x4: {  	s12 =	stileid.u32;
	s5 =	rddreg [dreg:$0x3];
	s13 =	simm.s32 $0x9  }
0x5: {  	s14 =	simm.s32 $0x80;
	s15 =	simm.s32 $0x6800;
	s6 =	sand.u32 $0x1, s3  }
0x6: {  	s4 =	sshll.u32 s12, $0x1;
	s3 =	simm.s32 $0x0;
	s17 =	smul.u32 $0x680000, s12  }
0x7: {  	s7 =	sor.u32 s6, s4;
	s10 =	ssub.s32 $0x2, s6;
	s6 =	smul.u32 $0x340000, s6  }
0x8: {  	v4 =	vlaneseq.u32;
	s31 =	simm.s32 $0x16980;
	[smem:$0x7FF] =	sst s3;
	s4 =	smul.u32 $0xD00, s7  }
0x9: {  	v8 =	vmul.u32 $0xD0, v4;
	v4 =	vmul.u32 $0x4, v4;
	_ =	strace $0x80000047;
	s8 =	sshll.u32 s7, $0x7;
	s7 =	sshll.u32 s7, $0x4  }
0xa: {  	s16 =	sshrl.u32 s10, $0x1;
	s11 =	sor.u32 $0x10, s8;
	s1 =	sadd.s32 s1, s7  }
0xb: {  	v10 =	vor.u32 $0x43, v4;
	s18 =	sor.u32 $0x20, s8;
	s19 =	sor.u32 $0x30, s8;
	s20 =	sor.u32 $0x40, s8  }
0xc: {  	v11 =	vor.u32 $0x83, v4;
	v12 =	vor.u32 $0xC3, v4;
	v0 =	vmov s8;
	s6 =	sadd.s32 s6, s17;
	s21 =	sor.u32 $0x50, s8;
	s22 =	sor.u32 $0x60, s8  }
0xd: {  	v13 =	vor.u32 $0x103, v4;
	v14 =	vor.u32 $0x143, v4;
	s24 =	sor.u32 $0x70, s8;
	s5 =	sadd.s32 s5, s7;
	s17 =	simm.s32 $0x1;
	v0 =	vmul.u32 $0xD0, v0  }
0xe: {  	s9 =	sadd.s32 s4, s0;
	s4 =	sadd.s32 $0x1B000, s0;
	v1 =	vmov s11;
	[dreg:$0x6] =	wrdreg s1;
	v2 =	vmov s18;
	v3 =	vmov s19  }
0xf: {  	s0 =	ssub.s32 s10, s16;
	s23 =	sor.u32 $0x4000, s6;
	[dreg:$0x7] =	wrdreg s5;
	v5 =	vmov s20;
	v6 =	vmov s21;
	v7 =	vmov s22  }
0x10: {  	s28 =	sor.u32 $0xC000, s6;
	s29 =	sshrl.u32 s6, $0x3;
	s6 =	sor.u32 $0x8000, s6;
	v9 =	vmov s24;
	v1 =	vmul.u32 $0xD0, v1;
	v2 =	vmul.u32 $0xD0, v2  }
0x11: {  	s16 =	simm.s32 $0xA800;
	s18 =	simm.s32 $0xE800;
	s19 =	simm.s32 $0x2;
	v3 =	vmul.u32 $0xD0, v3;
	v5 =	vmul.u32 $0xD0, v5;
	v6 =	vmul.u32 $0xD0, v6  }
0x12: {  	s20 =	simm.s32 $0x12800;
	s21 =	simm.s32 $0x3;
	s22 =	simm.s32 $0x4;
	v7 =	vmul.u32 $0xD0, v7;
	v0 =	vbroadcast v0, $0x0;
	v1 =	vbroadcast v1, $0x0  }
0x13: {  	s24 =	simm.s32 $0x6;
	s9 =	sadd.s32 $0x1000, s9;
	s25 =	sshrl.u32 s23, $0x3;
	v9 =	vmul.u32 $0xD0, v9;
	v2 =	vbroadcast v2, $0x0;
	v3 =	vbroadcast v3, $0x0  }
.Ltmp0:
0x14: {  	v15 =	vor.u32 $0x183, v4;
	s0 =	smax.u32 s0, $0x1;
	s1 =	sadd.s32 s29, s4;
	v5 =	vbroadcast v5, $0x0;
	v6 =	vbroadcast v6, $0x0;
	(pc) =	sbr.rel .LBB2_1-.Ltmp0, $4  }
0x15: {  	v16 =	vor.u32 $0x1C3, v4;
	s30 =	sshrl.u32 s6, $0x3;
	s23 =	simm.s32 $0x5;
	[dreg:$0x5] =	wrdreg s9;
	v7 =	vbroadcast v7, $0x0;
	v9 =	vbroadcast v9, $0x0  }
0x16: {  	[dreg:$0x8] =	wrdreg s0;
	s26 =	sadd.s32 s25, s4;
	s0 =	sshrl.u32 s28, $0x3;
	v0 =	vadd.s32 v8, v0;
	v1 =	vadd.s32 v8, v1;
	v2 =	vadd.s32 v8, v2  }
0x17: {  	s12 =	sadd.s32 s30, s4;
	s25 =	simm.s32 $0x7;
	[dreg:$0x9] =	wrdreg s26;
	v3 =	vadd.s32 v8, v3;
	v5 =	vadd.s32 v8, v5;
	v6 =	vadd.s32 v8, v6  }
0x18: {  	s11 =	sadd.s32 s0, s4;
	s26 =	simm.s32 $0x8;
	s0 =	simm.s32 $0x0;
	v7 =	vadd.s32 v8, v7;
	v8 =	vadd.s32 v8, v9;
	v9 =	vor.u32 $0x3, v4  }
.LBB2_6:
0x19: {  	_ =	swait.ge [sflag:s23], $0x4000  }
0x1a: {  	[sflag:s23] =	ssyncset.done $0x0  }
0x1b: {  	[sflag:s23] =	ssyncadd.s32 $0xFFFFC000  }
0x1c: {  	_ =	swait.ge [sflag:s24], $0x4000  }
0x1d: {  	[sflag:s24] =	ssyncset.done $0x0  }
0x1e: {  	[sflag:s24] =	ssyncadd.s32 $0xFFFFC000  }
0x1f: {  	_ =	swait.ge [sflag:s25], $0x4000  }
0x20: {  	[sflag:s25] =	ssyncset.done $0x0  }
0x21: {  	[sflag:s25] =	ssyncadd.s32 $0xFFFFC000  }
0x22: {  	_ =	swait.ge [sflag:s26], $0x4000  }
0x23: {  	[sflag:s26] =	ssyncset.done $0x0  }
0x24: {  	s6 =	simm.s32 $0x16800;
	s5 =	rddreg [dreg:$0x6];
	[sflag:s26] =	ssyncadd.s32 $0xFFFFC000  }
0x25: {  	[tilespmem:s6], [sflag:$0x9] =	stream.linear.gather [hbm4b:s5+s3], $0x80, $0x38;
	[tilespmem:$0x1AA00] =	vst v63  }
0x26: {  	_ =	swait.ge [sflag:s13], $0x80  }
0x27: {  	[sflag:s13] =	ssyncset.done $0x0  }
0x28: {  	[sflag:s13] =	ssyncadd.s32 $0xFFFFFF80  }
0x29: {  	v17 =	vld [tilespmem:$0x16800]  }
0x2a: {  	v18 =	vld [tilespmem:$0x16810];
	_ =	sdelay $0x1  }
0x2b: {  	v19 =	vld [tilespmem:$0x16820];
	[tilespmem:$0x16900] =	vst v9  }
0x2c: {  	[tilespmem:$0x16910] =	vst v10  }
0x2d: {  	v63 =	vld [tilespmem:$0x16830];
	[tilespmem:$0x16920] =	vst v11;
	v20 =	vadd.s32 v17, v0;
	v17 =	vadd.s32 $0x1, v17  }
0x2e: {  	[tilespmem:$0x1A980] =	vst v17;
	v17 =	vadd.s32 v18, v1  }
0x2f: {  	[tilespmem:$0x16890] =	vst v17;
	v17 =	vadd.s32 $0x1, v18;
	v18 =	vld [tilespmem:$0x16840]  }
0x30: {  	[tilespmem:$0x1A990] =	vst v17;
	v17 =	vadd.s32 v19, v2  }
0x31: {  	[tilespmem:$0x168A0] =	vst v17;
	v17 =	vadd.s32 $0x1, v19  }
0x32: {  	[tilespmem:$0x1A9A0] =	vst v17;
	v17 =	vadd.s32 v63, v3  }
0x33: {  	v19 =	vld [tilespmem:$0x16850];
	[tilespmem:$0x168B0] =	vst v17;
	v17 =	vadd.s32 $0x1, v63  }
0x34: {  	[tilespmem:$0x1A9B0] =	vst v17;
	v17 =	vadd.s32 v18, v5  }
0x35: {  	[tilespmem:$0x168C0] =	vst v17;
	v17 =	vadd.s32 $0x1, v18;
	v18 =	vld [tilespmem:$0x16860]  }
0x36: {  	[tilespmem:$0x16930] =	vst v12  }
0x37: {  	[tilespmem:$0x16940] =	vst v13  }
0x38: {  	[tilespmem:$0x1A9C0] =	vst v17;
	v17 =	vadd.s32 v19, v6  }
0x39: {  	[tilespmem:$0x168D0] =	vst v17;
	v17 =	vadd.s32 $0x1, v19  }
0x3a: {  	[tilespmem:$0x1A9D0] =	vst v17;
	v17 =	vadd.s32 v18, v7  }
0x3b: {  	[tilespmem:$0x168E0] =	vst v17;
	v17 =	vld [tilespmem:$0x16870]  }
0x3c: {  	[tilespmem:$0x16950] =	vst v14  }
0x3d: {  	[tilespmem:$0x16960] =	vst v15  }
0x3e: {  	[tilespmem:$0x16970] =	vst v16  }
0x3f: {  	[tilespmem:$0x16880] =	vst v20;
	v18 =	vadd.s32 $0x1, v18  }
0x40: {  	[tilespmem:$0x1A9E0] =	vst v18;
	v18 =	vadd.s32 v17, v8  }
0x41: {  	v17 =	vadd.s32 $0x1, v17;
	[tilespmem:$0x168F0] =	vst v18  }
0x42: {  	s10 =	simm.s32 $0x1A980;
	s9 =	rddreg [dreg:$0x7];
	[tilespmem:$0x1A9F0] =	vst v17  }
0x43: {  	[hbm4b:s9+s3] =	stream.linear.scatter [tilespmem:s10], [sflag:$0x9], $0x80, $0x38;
	[tilespmem:$0x1AA00] =	vst v63  }
0x44: {  	_ =	swait.ge [sflag:s13], $0x80  }
0x45: {  	[sflag:s13] =	ssyncset.done $0x0  }
0x46: {  	s28 =	simm.s32 $0x16900;
	[sflag:s13] =	ssyncadd.s32 $0xFFFFFF80  }
0x47: {  	[tilespmem:s31], [sflag:$0x1] =	stream.indirect.gather [hbm4b:s2+s14], $0x80, s28, s14, $0xb8;
	[tilespmem:$0x1AA00] =	vst v63  }
0x48: {  	_ =	swait.ge [sflag:s17], $0x4000  }
0x49: {  	[sflag:s17] =	ssyncset.done $0x0  }
0x4a: {  	s29 =	simm.s32 $0x16880;
	[sflag:s17] =	ssyncadd.s32 $0xFFFFC000  }
0x4b: {  	[hbm4b:s4+s14] =	stream.indirect.scatter [tilespmem:s31], [sflag:$0x1], $0x80, s29, s14, $0xb8;
	[tilespmem:$0x1AA00] =	vst v63  }
0x4c: {  	_ =	swait.ge [sflag:s17], $0x4000  }
0x4d: {  	s0 =	sadd.s32 $0x1, s0;
	s30 =	rddreg [dreg:$0x8]  }
0x4e: {  	p0 =	sne.s32 s0, s30  }
.Ltmp1:
0x4f: {  	_ = 	snop;
	(pc) =	sbr.rel @!p0 .LBB2_7-.Ltmp1, $3  }
0x50: {  	_ =	sdelay $0x1  }
0x51: {  	[sflag:s17] =	ssyncset.done $0x0  }
0x52: {  	[sflag:s17] =	ssyncadd.s32 $0xFFFFC000  }
.LBB2_1:
0x53: {  	s5 =	rddreg [dreg:$0x5];
	s28 =	simm.s32 $0x40  }
0x54: {  	[tilespmem:s3], [sflag:$0x9] =	stream.linear.gather [hbm4b:s5+s3], $0x6800, $0x38;
	[tilespmem:$0x1AA00] =	vst v63  }
0x55: {  	s6 =	simm.s32 $0x0;
	s9 =	simm.s32 $0x10;
	_ =	swait.ge [sflag:s13], $0x6800  }
0x56: {  	s10 =	simm.s32 $0x20;
	s7 =	simm.s32 $0x40;
	[sflag:s13] =	ssyncset.done $0x0  }
0x57: {  	s8 =	simm.s32 $0x50;
	v17 =	vmov s6;
	v18 =	vmov s9;
	v19 =	vmov s10;
	s5 =	simm.s32 $0x30;
	[sflag:s13] =	ssyncadd.s32 $0xFFFF9800  }
0x58: {  	v21 =	vmov s7;
	v22 =	vmov s8;
	s9 =	simm.s32 $0x60;
	v20 =	vmov s5;
	v23 =	vld [tilespmem:s28+$0x20]  }
0x59: {  	s10 =	simm.s32 $0x70;
	v17 =	vshll.u32 v17, $0x2;
	v21 =	vshll.u32 v21, $0x2;
	v25 =	vmov s9;
	v24 =	vld [tilespmem:s28+$0x10]  }
0x5a: {  	v19 =	vshll.u32 v19, $0x2;
	v22 =	vshll.u32 v22, $0x2;
	v63 =	vmov s10;
	v26 =	vld [tilespmem:s28+$0xFFFFFFE0]  }
0x5b: {  	v20 =	vshll.u32 v20, $0x2;
	v25 =	vshll.u32 v25, $0x2;
	v17 =	vor.u32 v4, v17;
	v27 =	vld [tilespmem:s28+$0x0]  }
0x5c: {  	v19 =	vor.u32 v4, v19;
	v22 =	vor.u32 v4, v22;
	v21 =	vor.u32 v4, v21;
	v28 =	vld [tilespmem:s28+$0xFFFFFFF0]  }
0x5d: {  	v25 =	vor.u32 v4, v25;
	v19 =	vand.u32 $0x1EBC, v19;
	v22 =	vand.u32 $0x1F7C, v22;
	v62 =	vld [tilespmem:s28+$0x30]  }
0x5e: {  	v17 =	vand.u32 $0x1E3C, v17;
	v20 =	vor.u32 v4, v20;
	v25 =	vand.u32 $0x1FBC, v25;
	v29 =	vld [tilespmem:s28+$0xFFFFFFD0]  }
0x5f: {  	v21 =	vand.u32 $0x1F3C, v21;
	v20 =	vand.u32 $0x1EFC, v20;
	v23 =	vadd.s32 v25, v23  }
0x60: {  	v22 =	vadd.s32 v22, v24;
	v24 =	vshll.u32 v63, $0x2;
	[tilespmem:s28+$0x20] =	vst v23;
	v23 =	vshll.u32 v18, $0x2;
	v18 =	vld [tilespmem:s28+$0xFFFFFFC0]  }
0x61: {  	v19 =	vadd.s32 v19, v26;
	[tilespmem:s28+$0x10] =	vst v22;
	v22 =	vor.u32 v4, v23;
	v23 =	vor.u32 v4, v24  }
0x62: {  	v21 =	vadd.s32 v21, v27;
	[tilespmem:s28+$0xFFFFFFE0] =	vst v19;
	v19 =	vand.u32 $0x1E7C, v22;
	v22 =	vand.u32 $0x1FFC, v23  }
0x63: {  	s29 =	simm.s32 $0xF0;
	s30 =	simm.s32 $0xC0;
	[tilespmem:s28+$0x0] =	vst v21;
	v21 =	vadd.s32 v20, v28;
	v19 =	vadd.s32 v19, v29;
	v20 =	vadd.s32 v22, v62  }
.LBB2_2:
0x64: {  	s6 =	sadd.s32 $0xFFFFFF90, s29;
	s9 =	sadd.s32 $0xFFFFFFA0, s29  }
0x65: {  	s10 =	sadd.s32 $0xFFFFFFB0, s29;
	v22 =	vld [tilespmem:s30+$0xFFFFFFF0];
	v17 =	vadd.s32 v17, v18;
	[tilespmem:s28+$0xFFFFFFF0] =	vst v21;
	s7 =	smov.u32 s29;
	v18 =	vmov s6;
	v21 =	vmov s9;
	s6 =	sadd.s32 $0xFFFFFFC0, s29  }
0x66: {  	v23 =	vmov s10;
	v24 =	vld [tilespmem:s30+$0xFFFFFFE0];
	s9 =	sadd.s32 $0xFFFFFFD0, s29;
	s10 =	sadd.s32 $0xFFFFFFE0, s29;
	[tilespmem:s28+$0xFFFFFFC0] =	vst v17;
	v17 =	vmov s6  }
0x67: {  	p0 =	sne.s32 s29, $0x67F0;
	s29 =	sadd.s32 $0x80, s29;
	v25 =	vmov s9;
	v26 =	vmov s10;
	s6 =	sadd.s32 $0xFFFFFFF0, s7;
	v27 =	vld [tilespmem:s30+$0x20];
	[tilespmem:s28+$0x30] =	vst v20  }
0x68: {  	v18 =	vshll.u32 v18, $0x2;
	v20 =	vshll.u32 v25, $0x2;
	v25 =	vld [tilespmem:s30+$0x10];
	v28 =	vmov s6;
	[tilespmem:s28+$0xFFFFFFD0] =	vst v19;
	s28 =	smov.u32 s30  }
0x69: {  	v19 =	vshll.u32 v23, $0x2;
	v23 =	vshll.u32 v17, $0x2;
	v17 =	vshll.u32 v28, $0x2  }
0x6a: {  	v18 =	vor.u32 v4, v18;
	v26 =	vshll.u32 v26, $0x2;
	v28 =	vld [tilespmem:s30+$0x0];
	v17 =	vor.u32 v4, v17  }
0x6b: {  	v19 =	vor.u32 v4, v19;
	v26 =	vor.u32 v4, v26;
	v17 =	vand.u32 $0x1FBC, v17  }
0x6c: {  	v19 =	vand.u32 $0x1EBC, v19;
	v26 =	vand.u32 $0x1F7C, v26;
	v27 =	vadd.s32 v17, v27;
	v29 =	vld [tilespmem:s30+$0x30]  }
0x6d: {  	v20 =	vor.u32 v4, v20;
	v17 =	vand.u32 $0x1E3C, v18;
	v30 =	vld [tilespmem:s30+$0xFFFFFFD0];
	v25 =	vadd.s32 v26, v25;
	[tilespmem:s30+$0x20] =	vst v27  }
.Ltmp2:
0x6e: {  	v20 =	vand.u32 $0x1F3C, v20;
	v19 =	vadd.s32 v19, v24;
	v24 =	vmov s7;
	v18 =	vld [tilespmem:s30+$0xFFFFFFC0];
	[tilespmem:s30+$0x10] =	vst v25;
	(pc) =	sbr.rel @p0 .LBB2_2-.Ltmp2, $4  }
0x6f: {  	v21 =	vshll.u32 v21, $0x2;
	[tilespmem:s30+$0xFFFFFFE0] =	vst v19;
	v19 =	vadd.s32 v20, v28;
	v20 =	vshll.u32 v24, $0x2  }
0x70: {  	v21 =	vor.u32 v4, v21;
	v23 =	vor.u32 v4, v23;
	[tilespmem:s30+$0x0] =	vst v19;
	v19 =	vor.u32 v4, v20  }
0x71: {  	v20 =	vand.u32 $0x1E7C, v21;
	v21 =	vand.u32 $0x1EFC, v23;
	v23 =	vand.u32 $0x1FFC, v19  }
0x72: {  	s30 =	sadd.s32 $0x80, s30;
	v21 =	vadd.s32 v21, v22;
	v19 =	vadd.s32 v20, v30;
	v20 =	vadd.s32 v23, v29  }
0x73: {  	[tilespmem:s28+$0xFFFFFFF0] =	vst v21  }
0x74: {  	[tilespmem:s28+$0x30] =	vst v20  }
0x75: {  	v17 =	vadd.s32 v17, v18;
	[tilespmem:s28+$0xFFFFFFD0] =	vst v19  }
0x76: {  	s29 =	smov.u32 s12;
	[tilespmem:s28+$0xFFFFFFC0] =	vst v17;
	s28 =	simm.s32 $0x0  }
0x77: {  	[tilespmem:s15], [sflag:$0x1] =	stream.indirect.gather [hbm4b:s2+s14], $0x80, s28, s14, $0xb8;
	[tilespmem:$0x1AA00] =	vst v63  }
0x78: {  	s30 =	smov.u32 s11;
	s10 =	smov.u32 s1;
	s9 =	rddreg [dreg:$0x9]  }
0x79: {  	[tilespmem:s16], [sflag:$0x2] =	stream.indirect.gather [hbm4b:s2+s14], $0x80, s14, s14, $0xb8;
	[tilespmem:$0x1AA00] =	vst v63  }
.LBB2_4:
0x7a: {  	_ =	swait.ge [sflag:s17], $0x4000  }
0x7b: {  	p0 =	seq.s32 s28, $0x0;
	[sflag:s17] =	ssyncset.done $0x0  }
0x7c: {  	s7 =	simm.s32 @!p0 $0x7;
	[sflag:s17] =	ssyncadd.s32 $0xFFFFC000  }
0x7d: {  	[hbm4b:s10+s3] =	stream.linear.scatter [tilespmem:s15], [sflag:$0x5], $0x4000, $0x38;
	[tilespmem:$0x1AA00] =	vst v63  }
0x7e: {  	_ =	swait.ge @!p0 [sflag:s7], $0x4000  }
0x7f: {  	s6 =	sshra.s32 s28, $0x2;
	[sflag:s7] =	ssyncset.done @!p0 $0x0  }
0x80: {  	s5 =	sadd.s32 $0x100, s6;
	[sflag:s7] =	ssyncadd.s32 @!p0 $0xFFFFC000  }
0x81: {  	[tilespmem:s18], [sflag:$0x3] =	stream.indirect.gather [hbm4b:s2+s14], $0x80, s5, s14, $0xb8;
	[tilespmem:$0x1AA00] =	vst v63  }
0x82: {  	_ =	swait.ge [sflag:s19], $0x4000  }
0x83: {  	[sflag:s19] =	ssyncset.done $0x0  }
0x84: {  	s7 =	simm.s32 @!p0 $0x8;
	[sflag:s19] =	ssyncadd.s32 $0xFFFFC000  }
0x85: {  	[hbm4b:s9+s3] =	stream.linear.scatter [tilespmem:s16], [sflag:$0x6], $0x4000, $0x38;
	[tilespmem:$0x1AA00] =	vst v63  }
0x86: {  	_ =	swait.ge @!p0 [sflag:s7], $0x4000  }
0x87: {  	[sflag:s7] =	ssyncset.done @!p0 $0x0  }
0x88: {  	s8 =	sadd.s32 $0x180, s6;
	[sflag:s7] =	ssyncadd.s32 @!p0 $0xFFFFC000  }
0x89: {  	[tilespmem:s20], [sflag:$0x4] =	stream.indirect.gather [hbm4b:s2+s14], $0x80, s8, s14, $0xb8;
	[tilespmem:$0x1AA00] =	vst v63  }
0x8a: {  	_ =	swait.ge [sflag:s21], $0x4000  }
0x8b: {  	p0 =	seq.s32 s28, $0x19800;
	[sflag:s21] =	ssyncset.done $0x0  }
0x8c: {  	s7 =	simm.s32 @!p0 $0x5;
	[sflag:s21] =	ssyncadd.s32 $0xFFFFC000  }
0x8d: {  	[hbm4b:s29+s3] =	stream.linear.scatter [tilespmem:s18], [sflag:$0x7], $0x4000, $0x38;
	[tilespmem:$0x1AA00] =	vst v63  }
0x8e: {  	_ =	swait.ge @!p0 [sflag:s7], $0x4000  }
0x8f: {  	[sflag:s7] =	ssyncset.done @!p0 $0x0  }
0x90: {  	[sflag:s7] =	ssyncadd.s32 @!p0 $0xFFFFC000;
	s7 =	sshra.s32 @!p0 s28, $0x2  }
0x91: {  	s8 =	simm.s32 @!p0 $0x80;
	s5 =	simm.s32 @!p0 $0x6800;
	s7 =	sadd.s32 @!p0 $0x200, s7  }
0x92: {  	[tilespmem:s5], [sflag:$0x1] =	stream.indirect.gather @!p0 [hbm4b:s2+s8], $0x80, s7, s8, $0xb8;
	[tilespmem:$0x1AA00] =	vst v63  }
.Ltmp3:
0x93: {  	_ = 	snop;
	(pc) =	sbr.rel @p0 .LBB2_6-.Ltmp3, $4  }
0x94: {  	_ =	swait.ge [sflag:s22], $0x4000  }
0x95: {  	[sflag:s22] =	ssyncset.done $0x0  }
0x96: {  	[sflag:s22] =	ssyncadd.s32 $0xFFFFC000  }
0x97: {  	[hbm4b:s30+s3] =	stream.linear.scatter [tilespmem:s20], [sflag:$0x8], $0x4000, $0x38;
	[tilespmem:$0x1AA00] =	vst v63  }
.Ltmp4:
0x98: {  	(pc) =	sbr.rel .LBB2_4-.Ltmp4, $4  }
0x99: {  	_ =	swait.ge [sflag:s24], $0x4000;
	s5 =	sadd.s32 $0x280, s6;
	s28 =	sadd.s32 $0x800, s28  }
0x9a: {  	s9 =	sadd.s32 $0x2000, s9;
	s10 =	sadd.s32 $0x2000, s10;
	[sflag:s24] =	ssyncset.done $0x0  }
0x9b: {  	s30 =	sadd.s32 $0x2000, s30;
	s29 =	sadd.s32 $0x2000, s29;
	[sflag:s24] =	ssyncadd.s32 $0xFFFFC000  }
0x9c: {  	[tilespmem:s16], [sflag:$0x2] =	stream.indirect.gather [hbm4b:s2+s14], $0x80, s5, s14, $0xb8;
	[tilespmem:$0x1AA00] =	vst v63  }
.LBB2_7:
0x9d: {  	_ =	sfence.sel $0x180000  }
0x9e: {  	[bflag:$0x0] =	sbarrier.arrive $0xFFFF  }
0x9f: {  	_ =	strace $0x90000047  }
0xa0: {  	s0 =	stileid.u32;
	[bflag:$0x2] =	sbarrier.arrive $0xFFFF  }
0xa1: {  	p0 =	sne.s32 s0, $0x0;
	s0 =	rddreg [dreg:$0x4]  }
0xa2: {  	s0 =	sadd.s32 @!p0 $0x100000, s0  }
0xa3: {  	[sflag:s0] =	ssyncadd.tile.s32 @!p0 $0x1;
	_ =	shalt  }
.Lfunc_end2:
_tile_overlayer_lowered:
.L_overlay_start_2:
0xa4: {  	(tag) =	ssettag $0x2  }
0xa5: {  	s0 =	rddreg [dreg:$0x0];
	s2 =	stileid.u32  }
0xa6: {  	s1 =	rddreg [dreg:$0x1];
	p0 =	sne.s32 s2, $0x0  }
0xa7: {  	s3 =	rddreg [dreg:$0x2];
	[bflag:$0x3] =	sbarrier.arrive $0xFFFF;
	s2 =	simm.s32 @!p0 $0x1C09  }
0xa8: {  	[timem:s3], [sflag:s2] =	dma.local @!p0 [hbm:s0], s1  }
0xa9: {  	s0 =	simm.s32 @!p0 $0x9  }
0xaa: {  	_ =	swait.ge @!p0 [sflag:s0], s1  }
0xab: {  	s1 =	ssub.s32 @!p0 $0x0, s1;
	[sflag:s0] =	ssyncset.done @!p0 $0x0  }
0xac: {  	[sflag:s0] =	ssyncadd.s32 @!p0 s1  }
0xad: {  	[bflag:$0x3] =	sbarrier.arrive $0xFFFF  }
0xae: {  	_ =	shalt  }

// kernel: sparse-core-data-format-call.cloned.1.call-start
scs
called_computation_lowered:
.L_overlay_start_0:
0x0: {  	s2 =	sld [smem:$0x3FD9]  }
0x1: {  	s3 =	sld [smem:$0x3FFE];
	_ =	sdelay $0x1  }
0x2: {  	s1 =	srdreg.scid  }
0x3: {  	s0 =	sand.u32 $0x1, s1  }
0x4: {  	s15 =	sshll.u32 s0, $0xA;
	s2 =	sadd.s32 s3, s2  }
0x5: {  	s2 =	sadd.s32 s2, s15  }
0x6: {  	[smem:$0x3FC4] =	sst s2  }
0x7: {  	_ = 	snop  }
0x8: {  	s2 =	sld [smem:$0x3FD0];
	_ =	sdelay $0x2  }
0x9: {  	s16 =	simm.s32 $0xA;
	s4 =	simm.s32 $0x10  }
0xa: {  	[smem:s4], [sflag:s16] =	dma.local [hbm:s2], $0x1  }
0xb: {  	_ =	swait.eq [sflag:s16], $0x1  }
0xc: {  	[sflag:s16] =	ssyncset.done $0x0  }
0xd: {  	[sflag:s16] =	ssyncadd.s32 $0xFFFFFFFF  }
0xe: {  	s17 =	sld [smem:$0x10];
	(tm) =	ssettm $0x1  }
0xf: {  	s18 =	sld [smem:$0x3FFB];
	_ =	sdelay $0x3  }
0x10: {  	_ =	strace s18  }
0x11: {  	s3 =	sld [smem:$0x3FFC];
	_ =	sdelay $0x3  }
0x12: {  	_ =	strace s3  }
0x13: {  	s3 =	sld [smem:$0x3FFD];
	_ =	sdelay $0x3  }
0x14: {  	_ =	strace s3  }
0x15: {  	_ =	strace $0x8FFFFFFF  }
0x16: {  	s19 =	sld [smem:$0x3FDB];
	_ =	sdelay $0x1  }
0x17: {  	s20 =	simm.s32 $_scs_section_size  }
0x18: {  	s5 =	simm.s32 $_size__tile_overlayer_lowered;
	s6 =	simm.s32 $_tile_overlayer_lowered  }
0x19: {  	s23 =	simm.s32 $0x1BFF;
	s22 =	sshll.u32 s6, $0x1;
	s3 =	sadd.s32 s20, s19  }
0x1a: {  	s7 =	simm.s32 $0x0;
	s21 =	sshll.u32 s5, $0x1;
	s5 =	sadd.s32 s22, s3  }
0x1b: {  	[timem:s7], [sflag:s23] =	dma.local [hbm:s5], s21  }
0x1c: {  	_ =	swait.ge [sflag:s23], s21  }
0x1d: {  	s4 =	ssub.s32 $0x0, s21;
	[sflag:s23] =	ssyncset.done $0x0  }
0x1e: {  	[sflag:s23] =	ssyncadd.s32 s4;
	_ =	sdelay $0x1  }
0x1f: {  	s24 =	simm.s32 $0x1B8B  }
0x20: {  	_ =	swait.ge [sflag:s24], $0x1  }
0x21: {  	[sflag:s24] =	ssyncset.done $0x0  }
0x22: {  	s26 =	simm.s32 $0x1B8E;
	s25 =	sld [smem:$0x3FFE];
	[sflag:s24] =	ssyncadd.s32 $0xFFFFFFFF  }
0x23: {  	s27 =	simm.s32 $execute0_lowered;
	[smem:$0x3FD2] =	sst s26  }
0x24: {  	s5 =	sshll.u32 s27, $0x1;
	_ =	strace $0x80000049;
	[dreg:$0x1] =	wrdreg $0xFFFFFFFF  }
0x25: {  	s28 =	simm.s32 $_size_execute0_lowered;
	s3 =	sadd.s32 s3, s5;
	[dreg:$0x0] =	wrdreg $0x0  }
0x26: {  	s5 =	sshll.u32 s28, $0x1;
	[dreg:$0x2] =	wrdreg s3  }
0x27: {  	[dreg:$0x3] =	wrdreg s5  }
0x28: {  	[dreg:$0x4] =	wrdreg $0xC0  }
0x29: {  	_ =	task [dreg:s7], $0x5FFFF  }
0x2a: {  	[dreg:$0x1] =	wrdreg $0xFFFFFFFF  }
0x2b: {  	[dreg:$0x0] =	wrdreg $0x60  }
0x2c: {  	[dreg:$0x2] =	wrdreg s25  }
0x2d: {  	[dreg:$0x3] =	wrdreg s17  }
0x2e: {  	[dreg:$0x4] =	wrdreg $0x9  }
0x2f: {  	_ =	task.clear_ibuf [dreg:s7], $0x5FFFF;
	_ =	strace $0x90000049  }
0x30: {  	s29 =	simm.s32 $0x9;
	_ =	strace $0x8000004B  }
0x31: {  	_ =	swait.ge [sflag:s29], $0x1  }
0x32: {  	[sflag:s29] =	ssyncadd.s32 $0xFFFFFFFF  }
0x33: {  	_ =	strace $0x9000004B  }
0x34: {  	_ =	sfence  }
0x35: {  	s30 =	sld [smem:$0x0];
	_ =	sdelay $0x2  }
0x36: {  	s31 =	sshll.u32 s1, $0xD;
	s1 =	sshrl.u32 s1, $0x2  }
0x37: {  	s3 =	sand.u32 $0x4000, s31;
	s1 =	sadd.s32 s1, s30  }
0x38: {  	s0 =	sor.u32 s3, s0;
	s1 =	sshll.u32 s1, $0x11  }
0x39: {  	s0 =	sor.u32 s1, s0  }
0x3a: {  	s0 =	sadd.s32 $0x8F2B, s0  }
0x3b: {  	[sflag:s0] =	ssyncadd.remote.s32 $0x1  }
0x3c: {  	_ =	sfence.sel $0xFFFF  }
0x3d: {  	[dreg:$0x0] =	wrdreg $0xFFFFFFFF;
	(pc) =	sbr.abs _section_cstart, $3  }
0x3e: {  	[dreg:$0x1] =	wrdreg $0xFFFFFFFF  }
0x3f: {  	_ =	task.clear_ibuf [dreg:s7], $0x2FFFF;
	_ =	strace $0x9FFFFFFF  }
0x40: {  	(tm) =	ssettm $0x7FFFFFFF  }
0x41: {  	_ =	shalt  }
tec
execute0_lowered:
.L_overlay_start_1:
0x0: {  	(tag) =	ssettag $0x1  }
0x1: {  	s0 =	srdreg.scid  }
0x2: {  	s1 =	sshll.u32 s0, $0x4  }
0x3: {  	s0 =	stileid.u32;
	s1 =	sand.u32 $0x10, s1  }
0x4: {  	s1 =	sor.u32 s0, s1  }
0x5: {  	s6 =	rddreg [dreg:$0x0];
	s4 =	simm.s32 $0x1;
	s2 =	sshll.u32 s1, $0x7  }
0x6: {  	s7 =	simm.s32 $0x2;
	s8 =	simm.s32 $0x0;
	s1 =	ssub.s32 $0x1000, s2  }
0x7: {  	s9 =	simm.s32 $0x0;
	s13 =	simm.s32 $0x0;
	s3 =	sand.u32 $0xF80, s1  }
0x8: {  	s14 =	simm.s32 $0x0;
	s5 =	sshrl.u32 s1, $0xC;
	p0 =	sne.s32 s3, $0x0  }
.Ltmp0:
0x9: {  	s1 =	rddreg [dreg:$0x2];
	s4 =	simm.s32 @!p0 $0x0;
	(pc) =	sbr.rel .LBB1_1-.Ltmp0, $4  }
0xa: {  	s10 =	simm.s32 $0x0;
	s3 =	rddreg [dreg:$0x1];
	s5 =	sadd.s32 s4, s5  }
0xb: {  	_ =	strace $0x8000004A;
	s4 =	simm.s32 $0x1;
	s5 =	smul.u32 $0xC9, s5  }
0xc: {  	s12 =	simm.s32 $0x0;
	s6 =	sadd.s32 $0x1B000, s6;
	[sflag:s4] =	ssyncpa.u1 $0x0  }
0xd: {  	s11 =	smov.u32 s2;
	[sflag:s7] =	ssyncpa.u1 $0x0;
	s7 =	sadd.s32 $0x1, s5  }
.LBB1_4:
0xe: {  	_ =	sdelay $0x3  }
0xf: {  	[tilespmem:v0+s16+$0xFFFFFFD0 ss:$0x1] =	vst.idx.msk $0xffff, v6  }
0x10: {  	v56 =	vld.idx.msk [tilespmem:v1+s17+$0x0 ss:$0x1], $0xffff;
	[tilespmem:v0+s16+$0xFFFFFFE0 ss:$0x1] =	vst.idx.msk $0xffff, v4  }
0x11: {  	v57 =	vld.idx.msk [tilespmem:v1+s17+$0xFFFFFF90 ss:$0x1], $0xffff;
	[tilespmem:v0+s16+$0xFFFFFFF0 ss:$0x1] =	vst.idx.msk $0xffff, v2  }
0x12: {  	v58 =	vld.idx.msk [tilespmem:v1+s17+$0xFFFFFFA0 ss:$0x1], $0xffff;
	[tilespmem:v0+s16+$0x0 ss:$0x1] =	vst.idx.msk $0xffff, v3  }
0x13: {  	v59 =	vld.idx.msk [tilespmem:v1+s17+$0xFFFFFFB0 ss:$0x1], $0xffff;
	[tilespmem:v0+s16+$0x10 ss:$0x1] =	vst.idx.msk $0xffff, v5  }
0x14: {  	v60 =	vld.idx.msk [tilespmem:v1+s17+$0xFFFFFFC0 ss:$0x1], $0xffff;
	[tilespmem:v0+s16+$0x20 ss:$0x1] =	vst.idx.msk $0xffff, v7  }
0x15: {  	v61 =	vld.idx.msk [tilespmem:v1+s17+$0xFFFFFFD0 ss:$0x1], $0xffff;
	[tilespmem:v0+s17+$0x30 ss:$0x1] =	vst.idx.msk $0xffff, v56  }
0x16: {  	v62 =	vld.idx.msk [tilespmem:v1+s17+$0xFFFFFFE0 ss:$0x1], $0xffff;
	[tilespmem:v0+s17+$0xFFFFFFC0 ss:$0x1] =	vst.idx.msk $0xffff, v57  }
0x17: {  	v63 =	vld.idx.msk [tilespmem:v1+s17+$0xFFFFFFF0 ss:$0x1], $0xffff;
	[tilespmem:v0+s17+$0xFFFFFFD0 ss:$0x1] =	vst.idx.msk $0xffff, v58  }
0x18: {  	[tilespmem:v0+s17+$0xFFFFFFE0 ss:$0x1] =	vst.idx.msk $0xffff, v59  }
0x19: {  	s14 =	sshll.u32 s14, $0x4;
	[tilespmem:v0+s17+$0xFFFFFFF0 ss:$0x1] =	vst.idx.msk $0xffff, v60  }
0x1a: {  	s14 =	sand.u32 $0xFFF0, s14;
	[tilespmem:v0+s17+$0x0 ss:$0x1] =	vst.idx.msk $0xffff, v61  }
0x1b: {  	s13 =	sshll.u32 s13, $0x10;
	s14 =	sadd.s32 s3, s14;
	[tilespmem:v0+s17+$0x10 ss:$0x1] =	vst.idx.msk $0xffff, v62  }
0x1c: {  	s13 =	sadd.s32 s13, s14;
	[tilespmem:v0+s17+$0x20 ss:$0x1] =	vst.idx.msk $0xffff, v63  }
0x1d: {  	[hbm4b:s13+s8] =	stream.linear.scatter [tilespmem:s15], [sflag:$0x2], $0x4000, $0x38;
	[tilespmem:$0x10000] =	vst v63  }
.LBB1_5:
0x1e: {  	s15 =	sadd.s32 $0x1, s10  }
0x1f: {  	s13 =	sadd.s32 $0x1000, s11;
	s17 =	smov.u32 s11;
	p1 =	sgt.s32 s15, $0xC8  }
0x20: {  	s17 =	smov.u32 @p1 s13  }
0x21: {  	s15 =	simm.s32 @p1 $0x0;
	p1 =	sgt.s32 s17, $0xFFF  }
0x22: {  	s17 =	smov.u32 @p1 s2;
	p1 =	sne.s32 s12, s7  }
.Ltmp1:
0x23: {  	p0 =	slt.u32 s12, $0x2;
	(pc) =	sbr.rel @!p1 .LBB1_6-.Ltmp1, $4  }
0x24: {  	s16 =	simm.s32 @!p0 $0x2  }
0x25: {  	s14 =	smov.u32 s11;
	s9 =	sadd.s32 $0x4000, s9;
	_ =	swait.ge @!p0 [sflag:s16], $0x4000  }
0x26: {  	s13 =	smov.u32 s10;
	[sflag:s16] =	ssyncset.done @!p0 $0x0;
	s10 =	smov.u32 s15  }
0x27: {  	s12 =	sadd.s32 $0x1, s12;
	[sflag:s16] =	ssyncadd.s32 @!p0 $0xFFFFC000;
	s11 =	smov.u32 s17  }
.LBB1_1:
0x28: {  	p0 =	sge.u32 s12, s5  }
0x29: {  	s15 =	sand.u32 @!p0 $0x1FFFFFF, s10  }
0x2a: {  	s16 =	smulhi.u32 @!p0 $0x2762763, s15;
	_ =	sdelay $0x1  }
0x2b: {  	s16 =	sshrl.u32 @!p0 s16, $0x1  }
0x2c: {  	s16 =	smul.u32 @!p0 $0xD0, s16  }
0x2d: {  	s17 =	sxor.u32 @!p0 $0xFFFFFFFF, s12;
	s18 =	smul.u32 @!p0 $0xD00, s11  }
0x2e: {  	s31 =	sadd.s32 $0xFFFFFFFF, s12;
	s17 =	sshll.u32 @!p0 s17, $0xE;
	s15 =	ssub.s32 @!p0 s15, s16  }
0x2f: {  	s16 =	sand.u32 @!p0 $0x4000, s17;
	s17 =	sadd.s32 @!p0 s6, s18;
	s15 =	sshll.u32 @!p0 s15, $0x4  }
0x30: {  	s18 =	simm.s32 @!p0 $0x6800;
	s15 =	sadd.s32 @!p0 s15, s17;
	s17 =	simm.s32 @!p0 $0x80  }
0x31: {  	[tilespmem:s16], [sflag:$0x1] =	stream.strided.gather @!p0 [hbm4b:s15+s17], $0x4000, s18, s17, $0x38;
	[tilespmem:$0x10000] =	vst v63  }
0x32: {  	p0 =	sge.u32 s31, s5  }
.Ltmp2:
0x33: {  	_ = 	snop;
	(pc) =	sbr.rel @p0 .LBB1_5-.Ltmp2, $1  }
0x34: {  	_ =	sdelay $0x3  }
0x35: {  	s15 =	sand.u32 $0x4000, s9  }
0x36: {  	s16 =	sor.u32 $0x70, s15  }
0x37: {  	v1 =	vmov s16;
	_ =	sdelay $0x1  }
0x38: {  	_ =	swait.ge [sflag:s4], $0x4000  }
0x39: {  	[sflag:s4] =	ssyncset.done $0x0  }
0x3a: {  	[sflag:s4] =	ssyncadd.s32 $0xFFFFC000;
	s16 =	simm.s32 $0x0  }
0x3b: {  	s15 =	sor.u32 $0x8040, s15;
	v7 =	vld.idx.msk [tilespmem:v1+s16+$0x0 ss:$0x1], $0xffff  }
0x3c: {  	v0 =	vmov s15;
	v8 =	vld.idx.msk [tilespmem:v1+s16+$0xFFFFFF90 ss:$0x1], $0xffff  }
0x3d: {  	v6 =	vld.idx.msk [tilespmem:v1+s16+$0xFFFFFFA0 ss:$0x1], $0xffff  }
0x3e: {  	v4 =	vld.idx.msk [tilespmem:v1+s16+$0xFFFFFFB0 ss:$0x1], $0xffff  }
0x3f: {  	v2 =	vld.idx.msk [tilespmem:v1+s16+$0xFFFFFFC0 ss:$0x1], $0xffff  }
0x40: {  	s31 =	sshll.u32 s12, $0xE;
	v3 =	vld.idx.msk [tilespmem:v1+s16+$0xFFFFFFD0 ss:$0x1], $0xffff  }
0x41: {  	s15 =	sand.u32 $0x4000, s31;
	v5 =	vld.idx.msk [tilespmem:v1+s16+$0xFFFFFFE0 ss:$0x1], $0xffff;
	[tilespmem:v0+s16+$0x30 ss:$0x1] =	vst.idx.msk $0xffff, v7  }
0x42: {  	s17 =	simm.s32 $0x80;
	s18 =	simm.s32 $0x400;
	s15 =	sor.u32 $0x8000, s15;
	[tilespmem:v0+s16+$0xFFFFFFC0 ss:$0x1] =	vst.idx.msk $0xffff, v8;
	v7 =	vld.idx.msk [tilespmem:v1+s16+$0xFFFFFFF0 ss:$0x1], $0xffff  }
.LBB1_3:
0x43: {  	p0 =	sne.s32 s18, $0xFE00;
	v8 =	vld.idx.msk [tilespmem:v1+s17+$0x0 ss:$0x1], $0xffff;
	[tilespmem:v0+s16+$0xFFFFFFD0 ss:$0x1] =	vst.idx.msk $0xffff, v6  }
0x44: {  	v9 =	vld.idx.msk [tilespmem:v1+s17+$0xFFFFFF90 ss:$0x1], $0xffff;
	[tilespmem:v0+s16+$0xFFFFFFE0 ss:$0x1] =	vst.idx.msk $0xffff, v4  }
0x45: {  	v6 =	vld.idx.msk [tilespmem:v1+s17+$0xFFFFFFA0 ss:$0x1], $0xffff;
	[tilespmem:v0+s16+$0xFFFFFFF0 ss:$0x1] =	vst.idx.msk $0xffff, v2  }
.Ltmp3:
0x46: {  	v4 =	vld.idx.msk [tilespmem:v1+s17+$0xFFFFFFB0 ss:$0x1], $0xffff;
	[tilespmem:v0+s16+$0x0 ss:$0x1] =	vst.idx.msk $0xffff, v3;
	(pc) =	sbr.rel @p0 .LBB1_3-.Ltmp3, $4  }
0x47: {  	v2 =	vld.idx.msk [tilespmem:v1+s17+$0xFFFFFFC0 ss:$0x1], $0xffff;
	[tilespmem:v0+s16+$0x10 ss:$0x1] =	vst.idx.msk $0xffff, v5  }
0x48: {  	v3 =	vld.idx.msk [tilespmem:v1+s17+$0xFFFFFFD0 ss:$0x1], $0xffff;
	[tilespmem:v0+s16+$0x20 ss:$0x1] =	vst.idx.msk $0xffff, v7;
	s16 =	smov.u32 s17  }
0x49: {  	v5 =	vld.idx.msk [tilespmem:v1+s16+$0xFFFFFFE0 ss:$0x1], $0xffff;
	[tilespmem:v0+s16+$0x30 ss:$0x1] =	vst.idx.msk $0xffff, v8  }
0x4a: {  	s17 =	sshra.s32 s18, $0x2;
	s18 =	sadd.s32 $0x200, s18;
	[tilespmem:v0+s16+$0xFFFFFFC0 ss:$0x1] =	vst.idx.msk $0xffff, v9;
	v7 =	vld.idx.msk [tilespmem:v1+s16+$0xFFFFFFF0 ss:$0x1], $0xffff  }
.Ltmp4:
0x4b: {  	_ = 	snop;
	(pc) =	sbr.rel .LBB1_4-.Ltmp4, $1  }
0x4c: {  	_ =	sdelay $0x3  }
.LBB1_6:
0x4d: {  	_ =	sfence.sel $0x180000  }
0x4e: {  	s2 =	simm.s32 $0x1;
	[bflag:$0x0] =	sbarrier.arrive $0xFFFF  }
0x4f: {  	s31 =	simm.s32 $0x2;
	[sflag:s2] =	ssyncpa.u1 $0x1  }
0x50: {  	[sflag:s31] =	ssyncpa.u1 $0x1  }
0x51: {  	p0 =	sne.s32 s0, $0x0;
	_ =	strace $0x9000004A  }
0x52: {  	s0 =	sadd.s32 @!p0 $0x100000, s1;
	[bflag:$0x2] =	sbarrier.arrive $0xFFFF  }
0x53: {  	[sflag:s0] =	ssyncadd.tile.s32 @!p0 $0x1;
	_ =	shalt  }
.Lfunc_end1:
_tile_overlayer_lowered:
.L_overlay_start_2:
0x54: {  	(tag) =	ssettag $0x2  }
0x55: {  	s0 =	rddreg [dreg:$0x0];
	s2 =	stileid.u32  }
0x56: {  	s1 =	rddreg [dreg:$0x1];
	p0 =	sne.s32 s2, $0x0  }
0x57: {  	s3 =	rddreg [dreg:$0x2];
	[bflag:$0x3] =	sbarrier.arrive $0xFFFF;
	s2 =	simm.s32 @!p0 $0x1C01  }
0x58: {  	[timem:s3], [sflag:s2] =	dma.local @!p0 [hbm:s0], s1  }
0x59: {  	s0 =	simm.s32 @!p0 $0x1  }
0x5a: {  	_ =	swait.ge @!p0 [sflag:s0], s1  }
0x5b: {  	s1 =	ssub.s32 @!p0 $0x0, s1;
	[sflag:s0] =	ssyncset.done @!p0 $0x0  }
0x5c: {  	[sflag:s0] =	ssyncadd.s32 @!p0 s1  }
0x5d: {  	[bflag:$0x3] =	sbarrier.arrive $0xFFFF  }
0x5e: {  	_ =	shalt  }

</sc_bundles>
